<compile_context>
chip_gen: v7x
topology: tpu7x:2x2x1
jax: 0.10.2.dev20260603
libtpu: 0.0.44.dev20260713+nightly
codegen_flags: <defaults>
</compile_context>

<pallas_src>
import functools

import jax
import jax.numpy as jnp
from jax import lax
from jax.experimental import pallas as pl
from jax.experimental.pallas import tpu as pltpu
from jax.experimental.pallas import tpu_sc as plsc

D = 16
NSPARSE = 10
NDENSE = 26
NF = NDENSE + NSPARSE


VP = 100352


def _detile_body(x_ref, o_ref):
    o_ref[0] = x_ref[0].reshape(D, -1, 128)


def _tc_detile(tabT):
    V = tabT.shape[2]
    BV = 50176
    return pl.pallas_call(
        _detile_body,
        grid=(NSPARSE, VP // BV),
        in_specs=[pl.BlockSpec((1, D, BV), lambda j, k: (j, 0, k))],
        out_specs=pl.BlockSpec((1, D, BV // 128, 128),
                               lambda j, k: (j, 0, k, 0)),
        out_shape=jax.ShapeDtypeStruct((NSPARSE, D, VP // 128, 128),
                                       jnp.float32),
    )(tabT)


def _sc_gather(xiT, tabT):
    N = xiT.shape[1]
    NW = 32
    NB = N // NW
    C = 128
    NCH = NB // C
    NPLANES = NSPARSE * D
    TOT = NPLANES * NCH
    W = 48

    mesh = plsc.VectorSubcoreMesh(core_axis_name="c", subcore_axis_name="s")

    @functools.partial(
        pl.kernel,
        mesh=mesh,
        compiler_params=pltpu.CompilerParams(use_tc_tiling_on_sc=False,
                                             needs_layout_passes=False),
        out_type=jax.ShapeDtypeStruct((NSPARSE, D, N), jnp.float32),
        scratch_types=[
            pltpu.VMEM((NSPARSE, NB), jnp.int32),
            pltpu.VMEM((NSPARSE, D, NB), jnp.float32),
            pltpu.SemaphoreType.DMA,
        ],
    )
    def k(xi_hbm, tab_hbm, out_hbm, idx_v, rows_v, sem):
        wid = lax.axis_index("s") * 2 + lax.axis_index("c")
        base = wid * NB
        for j in range(NSPARSE):
            pltpu.sync_copy(xi_hbm.at[NDENSE + j, pl.ds(base, NB)],
                            idx_v.at[j])

        def xfer(t):
            jd = t // NCH
            c = t % NCH
            j = jd // D
            d = jd % D
            return (tab_hbm.at[j].at[d].at[idx_v.at[j].at[pl.ds(c * C, C)]],
                    rows_v.at[j].at[d].at[pl.ds(c * C, C)])

        def fire(t, _):
            src, dst = xfer(t)
            pltpu.async_copy(src, dst, sem)

            @pl.when(t >= W)
            def _():
                src0, dst0 = xfer(t - W)
                pltpu.make_async_copy(src0, dst0, sem).wait()
            return 0

        lax.fori_loop(0, TOT, fire, 0)

        def drain(t, _):
            src0, dst0 = xfer(t)
            pltpu.make_async_copy(src0, dst0, sem).wait()
            return 0

        lax.fori_loop(TOT - W, TOT, drain, 0)

        pltpu.sync_copy(rows_v, out_hbm.at[:, :, pl.ds(base, NB)])

    return k(xiT, tabT)


def _fold_body(*refs):
    with jax.default_matmul_precision("highest"):
        _fold_body_inner(*refs)


def _fold_body_inner(w1_ref, b1_ref, w2_ref, b2_ref, g1_ref, be1_ref, rm1_ref,
                     rv1_ref, g2_ref, be2_ref, rm2_ref, rv2_ref, wp_ref,
                     cd_ref):
    a1 = g1_ref[:] * lax.rsqrt(rv1_ref[:] + 1e-5)
    a2 = g2_ref[:] * lax.rsqrt(rv2_ref[:] + 1e-5)
    u = a2 @ w2_ref[:]
    v = u * a1
    wp_ref[:] = v @ w1_ref[:] + 1.0
    cd = (b1_ref[:] * v + u * (be1_ref[:] - a1 * rm1_ref[:])
          + b2_ref[:] * a2 + (be2_ref[:] - rm2_ref[:] * a2))
    cd_ref[:] = jnp.sum(cd, axis=1, keepdims=True)


def _fold(W1, b1, W2, b2, g1, be1, rm1, rv1, g2, be2, rm2, rv2,
          interpret=False):
    r = lambda x: x.reshape(1, -1)
    wp, cd = pl.pallas_call(
        _fold_body,
        out_shape=[jax.ShapeDtypeStruct((1, 576), jnp.float32),
                   jax.ShapeDtypeStruct((1, 1), jnp.float32)],
        interpret=interpret,
    )(W1, r(b1), W2, r(b2), r(g1), r(be1), r(rm1), r(rv1),
      r(g2), r(be2), r(rm2), r(rv2))
    return wp.reshape(NF, D), cd


def _tc_body(*refs):
    with jax.default_matmul_precision("highest"):
        _tc_body_inner(*refs)


def _tc_body_inner(xi_ref, xv_ref, g_ref, lw_ref, lb_ref, wp_ref, cd_ref,
                   bias_ref, o_ref):
    wplus = wp_ref[:]
    c_deep = cd_ref[0, 0]
    xiT = xi_ref[:].astype(jnp.float32)
    xvT = xv_ref[:]
    xdT = xiT[:NDENSE]
    xvdT = xvT[:NDENSE]
    xqT = xdT * xvdT

    lw = lw_ref[:]
    lb = lb_ref[:]
    wp_d = wplus[:NDENSE]
    dot00 = lambda a, b: lax.dot_general(a, b, (((0,), (0,)), ((), ())))
    sT = dot00(lw, xqT) + dot00(lb, xvdT)
    aw = jnp.sum(lw * wp_d, axis=1, keepdims=True)
    bw = jnp.sum(lb * wp_d, axis=1, keepdims=True)
    pT = dot00(aw, xqT) + dot00(bw, xvdT)
    wa = jnp.sum(lw * lw, axis=1, keepdims=True)
    wb = jnp.sum(lw * lb, axis=1, keepdims=True)
    wc = jnp.sum(lb * lb, axis=1, keepdims=True)
    qT = (dot00(wa, xqT * xqT) + 2.0 * dot00(wb, xqT * xvdT)
          + dot00(wc, xvdT * xvdT))

    for j in range(NSPARSE):
        ej = g_ref[j] * xvT[NDENSE + j][None, :]
        sT = sT + ej
        pT = pT + dot00(wplus[NDENSE + j][:, None], ej)
        qT = qT + jnp.sum(ej * ej, axis=0, keepdims=True)

    tot = pT + 0.5 * (jnp.sum(sT * sT, axis=0, keepdims=True) - qT) + c_deep
    o_ref[:] = tot[0] + bias_ref[:]


def _tc_combine(xiT, xvT, G, linW, linb, W1, b1, W2, b2, g1, be1, rm1, rv1,
                g2, be2, rm2, rv2, bias, interpret=False):
    N = xiT.shape[1]
    Nb = 2048
    grid = N // Nb
    wplus, cdeep = _fold(W1, b1, W2, b2, g1, be1, rm1, rv1,
                         g2, be2, rm2, rv2, interpret=interpret)
    full = lambda shape: pl.BlockSpec(shape, lambda i: tuple(0 for _ in shape))
    return pl.pallas_call(
        _tc_body,
        grid=(grid,),
        in_specs=[
            pl.BlockSpec((NF, Nb), lambda i: (0, i)),
            pl.BlockSpec((NF, Nb), lambda i: (0, i)),
            pl.BlockSpec((NSPARSE, D, Nb), lambda i: (0, 0, i)),
            full(linW.shape), full(linb.shape),
            full(wplus.shape), full(cdeep.shape),
            pl.BlockSpec((Nb,), lambda i: (i,)),
        ],
        out_specs=pl.BlockSpec((Nb,), lambda i: (i,)),
        out_shape=jax.ShapeDtypeStruct((N,), jnp.float32),
        interpret=interpret,
    )(xiT, xvT, G, linW, linb, wplus, cdeep, bias)


def kernel(Xi, Xv, linW, linb, tables, W1, b1, W2, b2, g1, be1, rm1, rv1,
           g2, be2, rm2, rv2, bias):
    N = Xi.shape[0]
    xiT = Xi.transpose(1, 2, 0).reshape(NF, N)
    xvT = Xv.T
    tabT = tables.transpose(0, 2, 1)
    tabLin = _tc_detile(tabT).reshape(NSPARSE, D, VP)
    G = _sc_gather(xiT.astype(jnp.int32), tabLin)
    return _tc_combine(xiT, xvT, G, linW, linb, W1, b1, W2, b2,
                       g1, be1, rm1, rv1, g2, be2, rm2, rv2, bias)

# --- scband reference (transcript-rebuilt; emitter-appended) ---
"""Pipeline reference for scband-deep-fm-65970697666829 (READ-ONLY COPY).

The authoritative reference and input builder live on the scoring server;
editing this copy changes nothing except your own understanding.
"""

import jax, jax.numpy as jnp
import numpy as np

N = 16384
FIELDS = 36
D = 16
V = 100000
H = [32, 32]


def setup_inputs(seed: int = 0) -> dict:
    key = jax.random.key(seed)
    ks = jax.random.split(key, 16)
    inp = {}
    inp["Xi"] = jax.random.randint(ks[0], (N, FIELDS, 1), 0, V)
    inp["Xv"] = jax.random.uniform(ks[1], (N, FIELDS), dtype=jnp.float32)
    # 26 dense fields handled by Linear(1, D): weight flattened to (26, D), bias (26, D)
    inp["linW"] = jax.random.normal(ks[2], (26, D), dtype=jnp.float32) * 0.1
    inp["linb"] = jax.random.normal(ks[3], (26, D), dtype=jnp.float32) * 0.1
    # 10 sparse fields: embedding tables (10, V, D)
    inp["tables"] = jax.random.normal(ks[4], (10, V, D), dtype=jnp.float32) * 0.1
    d_in = FIELDS * D
    inp["W1"] = jax.random.normal(ks[5], (H[0], d_in), dtype=jnp.float32) * (1.0 / np.sqrt(d_in))
    inp["b1"] = jax.random.normal(ks[6], (H[0],), dtype=jnp.float32) * 0.01
    inp["W2"] = jax.random.normal(ks[7], (H[1], H[0]), dtype=jnp.float32) * (1.0 / np.sqrt(H[0]))
    inp["b2"] = jax.random.normal(ks[8], (H[1],), dtype=jnp.float32) * 0.01
    # BatchNorm eval-mode params/buffers
    inp["g1"] = jnp.ones((H[0],), dtype=jnp.float32)
    inp["be1"] = jnp.zeros((H[0],), dtype=jnp.float32)
    inp["rm1"] = jnp.zeros((H[0],), dtype=jnp.float32)
    inp["rv1"] = jnp.ones((H[0],), dtype=jnp.float32)
    inp["g2"] = jnp.ones((H[1],), dtype=jnp.float32)
    inp["be2"] = jnp.zeros((H[1],), dtype=jnp.float32)
    inp["rm2"] = jnp.zeros((H[1],), dtype=jnp.float32)
    inp["rv2"] = jnp.ones((H[1],), dtype=jnp.float32)
    # per-example bias (in torch forward this is a fresh randn Parameter; fixed here for determinism)
    inp["bias"] = jax.random.normal(ks[9], (N,), dtype=jnp.float32)
    return inp


def reference(Xi, Xv, linW, linb, tables, W1, b1, W2, b2, g1, be1, rm1, rv1, g2, be2, rm2, rv2, bias):
    emb_arr = []
    # dense fields: Linear(1, D) applied to index value cast to float, scaled by Xv
    for i in range(26):
        x = Xi[:, i, 0].astype(jnp.float32)
        out = x[:, None] * linW[i][None, :] + linb[i][None, :]
        emb_arr.append(out * Xv[:, i][:, None])
    # sparse fields: embedding gather, scaled by Xv
    for j in range(10):
        idx = Xi[:, 26 + j, 0]
        out = jnp.take(tables[j], idx, axis=0)
        emb_arr.append(out * Xv[:, 26 + j][:, None])
    fm_first = jnp.concatenate(emb_arr, axis=1)  # (N, 36*D)
    stack = jnp.stack(emb_arr, axis=0)  # (36, N, D)
    s = stack.sum(axis=0)
    fm_second = 0.5 * (s * s - (stack * stack).sum(axis=0))
    # deep part (eval-mode batchnorm, dropout = identity)
    h = fm_first @ W1.T + b1
    h = (h - rm1) / jnp.sqrt(rv1 + 1e-5) * g1 + be1
    h = h @ W2.T + b2
    h = (h - rm2) / jnp.sqrt(rv2 + 1e-5) * g2 + be2
    total = fm_first.sum(axis=1) + fm_second.sum(axis=1) + h.sum(axis=1) + bias
    return total


if False:  # reference __main__ guard neutralized (emitter)
    out = reference(**setup_inputs())
    print(out.shape, out.dtype)

if __name__ == "__main__":
    import jax
    _d = setup_inputs()
    print(jax.jit(kernel)(*tuple(_d.values())))

</pallas_src>

<mosaic_0001>
#map = affine_map<(d0, d1) -> (0, 0)>
#map1 = affine_map<(d0, d1) -> (0, 0, 0)>
module attributes {stable_mosaic.version = 14 : i64} {
  func.func @k(%arg0: i32, %arg1: i32, %arg2: memref<36x16384xi32, #tpu.memory_space<hbm>>, %arg3: memref<10x16x100352xf32, #tpu.memory_space<hbm>>, %arg4: memref<10x16x16384xf32, #tpu.memory_space<hbm>>, %arg5: memref<10x512xi32, #tpu.memory_space<vmem>>, %arg6: memref<10x16x512xf32, #tpu.memory_space<vmem>>, %arg7: memref<!tpu.dma_semaphore, #tpu.memory_space<semaphore_mem>>) attributes {dimension_semantics = [#tpu.dimension_semantics<core_parallel>, #tpu.dimension_semantics<subcore_parallel>], iteration_bounds = array<i64: 2, 16>, scalar_prefetch = 0 : i64, scratch_operands = 3 : i64, tpu.core_type = #tpu.core_type<sc_vector_subcore>, window_params = [{transform_indices = #map}, {transform_indices = #map1}, {transform_indices = #map1}]} {
    %mul3A = arith.constant 2 : i32
    %mul3A_0 = arith.muli %arg1, %mul3A : i32
    %add3A = arith.addi %mul3A_0, %arg0 : i32
    %mul3A_1 = arith.constant 512 : i32
    %mul3A_2 = arith.muli %add3A, %mul3A_1 : i32
    %run_scoped3A = arith.constant 26 : i32
    %run_scoped3A_3 = arith.constant 0 : i32
    "tpu.region"() ({
      %run_scoped3A_35 = tpu.sem_alloc : memref<!tpu.dma_semaphore, #tpu.memory_space<semaphore_mem>>
      %dma_start3A = arith.constant 0 : i32
      %dma_start3A_36 = tpu.memref_slice %arg5[%run_scoped3A_3, %dma_start3A] : memref<10x512xi32, #tpu.memory_space<vmem>> -> memref<1x512xi32, #tpu.memory_space<vmem>>
      %dma_start3A_37 = tpu.memref_squeeze %dma_start3A_36 : memref<1x512xi32, #tpu.memory_space<vmem>> -> memref<512xi32, #tpu.memory_space<vmem>>
      %dma_start3A_38 = tpu.memref_slice %arg2[%run_scoped3A, %mul3A_2] : memref<36x16384xi32, #tpu.memory_space<hbm>> -> memref<1x512xi32, #tpu.memory_space<hbm>>
      %dma_start3A_39 = tpu.memref_squeeze %dma_start3A_38 : memref<1x512xi32, #tpu.memory_space<hbm>> -> memref<512xi32, #tpu.memory_space<hbm>>
      %dma_start3A_40 = arith.constant 0 : i32
      %dma_start3A_41 = tpu.memref_slice %arg5[%run_scoped3A_3, %dma_start3A_40] : memref<10x512xi32, #tpu.memory_space<vmem>> -> memref<1x512xi32, #tpu.memory_space<vmem>>
      %dma_start3A_42 = tpu.memref_squeeze %dma_start3A_41 : memref<1x512xi32, #tpu.memory_space<vmem>> -> memref<512xi32, #tpu.memory_space<vmem>>
      %dma_start3A_43 = tpu.memref_slice %arg2[%run_scoped3A, %mul3A_2] : memref<36x16384xi32, #tpu.memory_space<hbm>> -> memref<1x512xi32, #tpu.memory_space<hbm>>
      %dma_start3A_44 = tpu.memref_squeeze %dma_start3A_43 : memref<1x512xi32, #tpu.memory_space<hbm>> -> memref<512xi32, #tpu.memory_space<hbm>>
      tpu.enqueue_dma source(%dma_start3A_44 : memref<512xi32, #tpu.memory_space<hbm>>) target(%dma_start3A_42 : memref<512xi32, #tpu.memory_space<vmem>>) target_semaphore(%run_scoped3A_35 : memref<!tpu.dma_semaphore, #tpu.memory_space<semaphore_mem>>)
      %dma_wait3A = arith.constant 0 : i32
      %dma_wait3A_45 = tpu.memref_slice %arg5[%run_scoped3A_3, %dma_wait3A] : memref<10x512xi32, #tpu.memory_space<vmem>> -> memref<1x512xi32, #tpu.memory_space<vmem>>
      %dma_wait3A_46 = tpu.memref_squeeze %dma_wait3A_45 : memref<1x512xi32, #tpu.memory_space<vmem>> -> memref<512xi32, #tpu.memory_space<vmem>>
      %dma_wait3A_47 = tpu.memref_slice %arg2[%run_scoped3A, %mul3A_2] : memref<36x16384xi32, #tpu.memory_space<hbm>> -> memref<1x512xi32, #tpu.memory_space<hbm>>
      %dma_wait3A_48 = tpu.memref_squeeze %dma_wait3A_47 : memref<1x512xi32, #tpu.memory_space<hbm>> -> memref<512xi32, #tpu.memory_space<hbm>>
      %dma_wait3A_49 = arith.constant 0 : i32
      %dma_wait3A_50 = tpu.memref_slice %arg5[%run_scoped3A_3, %dma_wait3A_49] : memref<10x512xi32, #tpu.memory_space<vmem>> -> memref<1x512xi32, #tpu.memory_space<vmem>>
      %dma_wait3A_51 = tpu.memref_squeeze %dma_wait3A_50 : memref<1x512xi32, #tpu.memory_space<vmem>> -> memref<512xi32, #tpu.memory_space<vmem>>
      %dma_wait3A_52 = tpu.memref_slice %arg2[%run_scoped3A, %mul3A_2] : memref<36x16384xi32, #tpu.memory_space<hbm>> -> memref<1x512xi32, #tpu.memory_space<hbm>>
      %dma_wait3A_53 = tpu.memref_squeeze %dma_wait3A_52 : memref<1x512xi32, #tpu.memory_space<hbm>> -> memref<512xi32, #tpu.memory_space<hbm>>
      tpu.wait_dma2 semaphore(%run_scoped3A_35 : memref<!tpu.dma_semaphore, #tpu.memory_space<semaphore_mem>>) src(%dma_wait3A_53 : memref<512xi32, #tpu.memory_space<hbm>>) dst(%dma_wait3A_51 : memref<512xi32, #tpu.memory_space<vmem>>)
      tpu.yield
    }) : () -> ()
    %run_scoped3A_4 = arith.constant 27 : i32
    %run_scoped3A_5 = arith.constant 1 : i32
    "tpu.region"() ({
      %run_scoped3A_35 = tpu.sem_alloc : memref<!tpu.dma_semaphore, #tpu.memory_space<semaphore_mem>>
      %dma_start3A = arith.constant 0 : i32
      %dma_start3A_36 = tpu.memref_slice %arg5[%run_scoped3A_5, %dma_start3A] : memref<10x512xi32, #tpu.memory_space<vmem>> -> memref<1x512xi32, #tpu.memory_space<vmem>>
      %dma_start3A_37 = tpu.memref_squeeze %dma_start3A_36 : memref<1x512xi32, #tpu.memory_space<vmem>> -> memref<512xi32, #tpu.memory_space<vmem>>
      %dma_start3A_38 = tpu.memref_slice %arg2[%run_scoped3A_4, %mul3A_2] : memref<36x16384xi32, #tpu.memory_space<hbm>> -> memref<1x512xi32, #tpu.memory_space<hbm>>
      %dma_start3A_39 = tpu.memref_squeeze %dma_start3A_38 : memref<1x512xi32, #tpu.memory_space<hbm>> -> memref<512xi32, #tpu.memory_space<hbm>>
      %dma_start3A_40 = arith.constant 0 : i32
      %dma_start3A_41 = tpu.memref_slice %arg5[%run_scoped3A_5, %dma_start3A_40] : memref<10x512xi32, #tpu.memory_space<vmem>> -> memref<1x512xi32, #tpu.memory_space<vmem>>
      %dma_start3A_42 = tpu.memref_squeeze %dma_start3A_41 : memref<1x512xi32, #tpu.memory_space<vmem>> -> memref<512xi32, #tpu.memory_space<vmem>>
      %dma_start3A_43 = tpu.memref_slice %arg2[%run_scoped3A_4, %mul3A_2] : memref<36x16384xi32, #tpu.memory_space<hbm>> -> memref<1x512xi32, #tpu.memory_space<hbm>>
      %dma_start3A_44 = tpu.memref_squeeze %dma_start3A_43 : memref<1x512xi32, #tpu.memory_space<hbm>> -> memref<512xi32, #tpu.memory_space<hbm>>
      tpu.enqueue_dma source(%dma_start3A_44 : memref<512xi32, #tpu.memory_space<hbm>>) target(%dma_start3A_42 : memref<512xi32, #tpu.memory_space<vmem>>) target_semaphore(%run_scoped3A_35 : memref<!tpu.dma_semaphore, #tpu.memory_space<semaphore_mem>>)
      %dma_wait3A = arith.constant 0 : i32
      %dma_wait3A_45 = tpu.memref_slice %arg5[%run_scoped3A_5, %dma_wait3A] : memref<10x512xi32, #tpu.memory_space<vmem>> -> memref<1x512xi32, #tpu.memory_space<vmem>>
      %dma_wait3A_46 = tpu.memref_squeeze %dma_wait3A_45 : memref<1x512xi32, #tpu.memory_space<vmem>> -> memref<512xi32, #tpu.memory_space<vmem>>
      %dma_wait3A_47 = tpu.memref_slice %arg2[%run_scoped3A_4, %mul3A_2] : memref<36x16384xi32, #tpu.memory_space<hbm>> -> memref<1x512xi32, #tpu.memory_space<hbm>>
      %dma_wait3A_48 = tpu.memref_squeeze %dma_wait3A_47 : memref<1x512xi32, #tpu.memory_space<hbm>> -> memref<512xi32, #tpu.memory_space<hbm>>
      %dma_wait3A_49 = arith.constant 0 : i32
      %dma_wait3A_50 = tpu.memref_slice %arg5[%run_scoped3A_5, %dma_wait3A_49] : memref<10x512xi32, #tpu.memory_space<vmem>> -> memref<1x512xi32, #tpu.memory_space<vmem>>
      %dma_wait3A_51 = tpu.memref_squeeze %dma_wait3A_50 : memref<1x512xi32, #tpu.memory_space<vmem>> -> memref<512xi32, #tpu.memory_space<vmem>>
      %dma_wait3A_52 = tpu.memref_slice %arg2[%run_scoped3A_4, %mul3A_2] : memref<36x16384xi32, #tpu.memory_space<hbm>> -> memref<1x512xi32, #tpu.memory_space<hbm>>
      %dma_wait3A_53 = tpu.memref_squeeze %dma_wait3A_52 : memref<1x512xi32, #tpu.memory_space<hbm>> -> memref<512xi32, #tpu.memory_space<hbm>>
      tpu.wait_dma2 semaphore(%run_scoped3A_35 : memref<!tpu.dma_semaphore, #tpu.memory_space<semaphore_mem>>) src(%dma_wait3A_53 : memref<512xi32, #tpu.memory_space<hbm>>) dst(%dma_wait3A_51 : memref<512xi32, #tpu.memory_space<vmem>>)
      tpu.yield
    }) : () -> ()
    %run_scoped3A_6 = arith.constant 28 : i32
    %run_scoped3A_7 = arith.constant 2 : i32
    "tpu.region"() ({
      %run_scoped3A_35 = tpu.sem_alloc : memref<!tpu.dma_semaphore, #tpu.memory_space<semaphore_mem>>
      %dma_start3A = arith.constant 0 : i32
      %dma_start3A_36 = tpu.memref_slice %arg5[%run_scoped3A_7, %dma_start3A] : memref<10x512xi32, #tpu.memory_space<vmem>> -> memref<1x512xi32, #tpu.memory_space<vmem>>
      %dma_start3A_37 = tpu.memref_squeeze %dma_start3A_36 : memref<1x512xi32, #tpu.memory_space<vmem>> -> memref<512xi32, #tpu.memory_space<vmem>>
      %dma_start3A_38 = tpu.memref_slice %arg2[%run_scoped3A_6, %mul3A_2] : memref<36x16384xi32, #tpu.memory_space<hbm>> -> memref<1x512xi32, #tpu.memory_space<hbm>>
      %dma_start3A_39 = tpu.memref_squeeze %dma_start3A_38 : memref<1x512xi32, #tpu.memory_space<hbm>> -> memref<512xi32, #tpu.memory_space<hbm>>
      %dma_start3A_40 = arith.constant 0 : i32
      %dma_start3A_41 = tpu.memref_slice %arg5[%run_scoped3A_7, %dma_start3A_40] : memref<10x512xi32, #tpu.memory_space<vmem>> -> memref<1x512xi32, #tpu.memory_space<vmem>>
      %dma_start3A_42 = tpu.memref_squeeze %dma_start3A_41 : memref<1x512xi32, #tpu.memory_space<vmem>> -> memref<512xi32, #tpu.memory_space<vmem>>
      %dma_start3A_43 = tpu.memref_slice %arg2[%run_scoped3A_6, %mul3A_2] : memref<36x16384xi32, #tpu.memory_space<hbm>> -> memref<1x512xi32, #tpu.memory_space<hbm>>
      %dma_start3A_44 = tpu.memref_squeeze %dma_start3A_43 : memref<1x512xi32, #tpu.memory_space<hbm>> -> memref<512xi32, #tpu.memory_space<hbm>>
      tpu.enqueue_dma source(%dma_start3A_44 : memref<512xi32, #tpu.memory_space<hbm>>) target(%dma_start3A_42 : memref<512xi32, #tpu.memory_space<vmem>>) target_semaphore(%run_scoped3A_35 : memref<!tpu.dma_semaphore, #tpu.memory_space<semaphore_mem>>)
      %dma_wait3A = arith.constant 0 : i32
      %dma_wait3A_45 = tpu.memref_slice %arg5[%run_scoped3A_7, %dma_wait3A] : memref<10x512xi32, #tpu.memory_space<vmem>> -> memref<1x512xi32, #tpu.memory_space<vmem>>
      %dma_wait3A_46 = tpu.memref_squeeze %dma_wait3A_45 : memref<1x512xi32, #tpu.memory_space<vmem>> -> memref<512xi32, #tpu.memory_space<vmem>>
      %dma_wait3A_47 = tpu.memref_slice %arg2[%run_scoped3A_6, %mul3A_2] : memref<36x16384xi32, #tpu.memory_space<hbm>> -> memref<1x512xi32, #tpu.memory_space<hbm>>
      %dma_wait3A_48 = tpu.memref_squeeze %dma_wait3A_47 : memref<1x512xi32, #tpu.memory_space<hbm>> -> memref<512xi32, #tpu.memory_space<hbm>>
      %dma_wait3A_49 = arith.constant 0 : i32
      %dma_wait3A_50 = tpu.memref_slice %arg5[%run_scoped3A_7, %dma_wait3A_49] : memref<10x512xi32, #tpu.memory_space<vmem>> -> memref<1x512xi32, #tpu.memory_space<vmem>>
      %dma_wait3A_51 = tpu.memref_squeeze %dma_wait3A_50 : memref<1x512xi32, #tpu.memory_space<vmem>> -> memref<512xi32, #tpu.memory_space<vmem>>
      %dma_wait3A_52 = tpu.memref_slice %arg2[%run_scoped3A_6, %mul3A_2] : memref<36x16384xi32, #tpu.memory_space<hbm>> -> memref<1x512xi32, #tpu.memory_space<hbm>>
      %dma_wait3A_53 = tpu.memref_squeeze %dma_wait3A_52 : memref<1x512xi32, #tpu.memory_space<hbm>> -> memref<512xi32, #tpu.memory_space<hbm>>
      tpu.wait_dma2 semaphore(%run_scoped3A_35 : memref<!tpu.dma_semaphore, #tpu.memory_space<semaphore_mem>>) src(%dma_wait3A_53 : memref<512xi32, #tpu.memory_space<hbm>>) dst(%dma_wait3A_51 : memref<512xi32, #tpu.memory_space<vmem>>)
      tpu.yield
    }) : () -> ()
    %run_scoped3A_8 = arith.constant 29 : i32
    %run_scoped3A_9 = arith.constant 3 : i32
    "tpu.region"() ({
      %run_scoped3A_35 = tpu.sem_alloc : memref<!tpu.dma_semaphore, #tpu.memory_space<semaphore_mem>>
      %dma_start3A = arith.constant 0 : i32
      %dma_start3A_36 = tpu.memref_slice %arg5[%run_scoped3A_9, %dma_start3A] : memref<10x512xi32, #tpu.memory_space<vmem>> -> memref<1x512xi32, #tpu.memory_space<vmem>>
      %dma_start3A_37 = tpu.memref_squeeze %dma_start3A_36 : memref<1x512xi32, #tpu.memory_space<vmem>> -> memref<512xi32, #tpu.memory_space<vmem>>
      %dma_start3A_38 = tpu.memref_slice %arg2[%run_scoped3A_8, %mul3A_2] : memref<36x16384xi32, #tpu.memory_space<hbm>> -> memref<1x512xi32, #tpu.memory_space<hbm>>
      %dma_start3A_39 = tpu.memref_squeeze %dma_start3A_38 : memref<1x512xi32, #tpu.memory_space<hbm>> -> memref<512xi32, #tpu.memory_space<hbm>>
      %dma_start3A_40 = arith.constant 0 : i32
      %dma_start3A_41 = tpu.memref_slice %arg5[%run_scoped3A_9, %dma_start3A_40] : memref<10x512xi32, #tpu.memory_space<vmem>> -> memref<1x512xi32, #tpu.memory_space<vmem>>
      %dma_start3A_42 = tpu.memref_squeeze %dma_start3A_41 : memref<1x512xi32, #tpu.memory_space<vmem>> -> memref<512xi32, #tpu.memory_space<vmem>>
      %dma_start3A_43 = tpu.memref_slice %arg2[%run_scoped3A_8, %mul3A_2] : memref<36x16384xi32, #tpu.memory_space<hbm>> -> memref<1x512xi32, #tpu.memory_space<hbm>>
      %dma_start3A_44 = tpu.memref_squeeze %dma_start3A_43 : memref<1x512xi32, #tpu.memory_space<hbm>> -> memref<512xi32, #tpu.memory_space<hbm>>
      tpu.enqueue_dma source(%dma_start3A_44 : memref<512xi32, #tpu.memory_space<hbm>>) target(%dma_start3A_42 : memref<512xi32, #tpu.memory_space<vmem>>) target_semaphore(%run_scoped3A_35 : memref<!tpu.dma_semaphore, #tpu.memory_space<semaphore_mem>>)
      %dma_wait3A = arith.constant 0 : i32
      %dma_wait3A_45 = tpu.memref_slice %arg5[%run_scoped3A_9, %dma_wait3A] : memref<10x512xi32, #tpu.memory_space<vmem>> -> memref<1x512xi32, #tpu.memory_space<vmem>>
      %dma_wait3A_46 = tpu.memref_squeeze %dma_wait3A_45 : memref<1x512xi32, #tpu.memory_space<vmem>> -> memref<512xi32, #tpu.memory_space<vmem>>
      %dma_wait3A_47 = tpu.memref_slice %arg2[%run_scoped3A_8, %mul3A_2] : memref<36x16384xi32, #tpu.memory_space<hbm>> -> memref<1x512xi32, #tpu.memory_space<hbm>>
      %dma_wait3A_48 = tpu.memref_squeeze %dma_wait3A_47 : memref<1x512xi32, #tpu.memory_space<hbm>> -> memref<512xi32, #tpu.memory_space<hbm>>
      %dma_wait3A_49 = arith.constant 0 : i32
      %dma_wait3A_50 = tpu.memref_slice %arg5[%run_scoped3A_9, %dma_wait3A_49] : memref<10x512xi32, #tpu.memory_space<vmem>> -> memref<1x512xi32, #tpu.memory_space<vmem>>
      %dma_wait3A_51 = tpu.memref_squeeze %dma_wait3A_50 : memref<1x512xi32, #tpu.memory_space<vmem>> -> memref<512xi32, #tpu.memory_space<vmem>>
      %dma_wait3A_52 = tpu.memref_slice %arg2[%run_scoped3A_8, %mul3A_2] : memref<36x16384xi32, #tpu.memory_space<hbm>> -> memref<1x512xi32, #tpu.memory_space<hbm>>
      %dma_wait3A_53 = tpu.memref_squeeze %dma_wait3A_52 : memref<1x512xi32, #tpu.memory_space<hbm>> -> memref<512xi32, #tpu.memory_space<hbm>>
      tpu.wait_dma2 semaphore(%run_scoped3A_35 : memref<!tpu.dma_semaphore, #tpu.memory_space<semaphore_mem>>) src(%dma_wait3A_53 : memref<512xi32, #tpu.memory_space<hbm>>) dst(%dma_wait3A_51 : memref<512xi32, #tpu.memory_space<vmem>>)
      tpu.yield
    }) : () -> ()
    %run_scoped3A_10 = arith.constant 30 : i32
    %run_scoped3A_11 = arith.constant 4 : i32
    "tpu.region"() ({
      %run_scoped3A_35 = tpu.sem_alloc : memref<!tpu.dma_semaphore, #tpu.memory_space<semaphore_mem>>
      %dma_start3A = arith.constant 0 : i32
      %dma_start3A_36 = tpu.memref_slice %arg5[%run_scoped3A_11, %dma_start3A] : memref<10x512xi32, #tpu.memory_space<vmem>> -> memref<1x512xi32, #tpu.memory_space<vmem>>
      %dma_start3A_37 = tpu.memref_squeeze %dma_start3A_36 : memref<1x512xi32, #tpu.memory_space<vmem>> -> memref<512xi32, #tpu.memory_space<vmem>>
      %dma_start3A_38 = tpu.memref_slice %arg2[%run_scoped3A_10, %mul3A_2] : memref<36x16384xi32, #tpu.memory_space<hbm>> -> memref<1x512xi32, #tpu.memory_space<hbm>>
      %dma_start3A_39 = tpu.memref_squeeze %dma_start3A_38 : memref<1x512xi32, #tpu.memory_space<hbm>> -> memref<512xi32, #tpu.memory_space<hbm>>
      %dma_start3A_40 = arith.constant 0 : i32
      %dma_start3A_41 = tpu.memref_slice %arg5[%run_scoped3A_11, %dma_start3A_40] : memref<10x512xi32, #tpu.memory_space<vmem>> -> memref<1x512xi32, #tpu.memory_space<vmem>>
      %dma_start3A_42 = tpu.memref_squeeze %dma_start3A_41 : memref<1x512xi32, #tpu.memory_space<vmem>> -> memref<512xi32, #tpu.memory_space<vmem>>
      %dma_start3A_43 = tpu.memref_slice %arg2[%run_scoped3A_10, %mul3A_2] : memref<36x16384xi32, #tpu.memory_space<hbm>> -> memref<1x512xi32, #tpu.memory_space<hbm>>
      %dma_start3A_44 = tpu.memref_squeeze %dma_start3A_43 : memref<1x512xi32, #tpu.memory_space<hbm>> -> memref<512xi32, #tpu.memory_space<hbm>>
      tpu.enqueue_dma source(%dma_start3A_44 : memref<512xi32, #tpu.memory_space<hbm>>) target(%dma_start3A_42 : memref<512xi32, #tpu.memory_space<vmem>>) target_semaphore(%run_scoped3A_35 : memref<!tpu.dma_semaphore, #tpu.memory_space<semaphore_mem>>)
      %dma_wait3A = arith.constant 0 : i32
      %dma_wait3A_45 = tpu.memref_slice %arg5[%run_scoped3A_11, %dma_wait3A] : memref<10x512xi32, #tpu.memory_space<vmem>> -> memref<1x512xi32, #tpu.memory_space<vmem>>
      %dma_wait3A_46 = tpu.memref_squeeze %dma_wait3A_45 : memref<1x512xi32, #tpu.memory_space<vmem>> -> memref<512xi32, #tpu.memory_space<vmem>>
      %dma_wait3A_47 = tpu.memref_slice %arg2[%run_scoped3A_10, %mul3A_2] : memref<36x16384xi32, #tpu.memory_space<hbm>> -> memref<1x512xi32, #tpu.memory_space<hbm>>
      %dma_wait3A_48 = tpu.memref_squeeze %dma_wait3A_47 : memref<1x512xi32, #tpu.memory_space<hbm>> -> memref<512xi32, #tpu.memory_space<hbm>>
      %dma_wait3A_49 = arith.constant 0 : i32
      %dma_wait3A_50 = tpu.memref_slice %arg5[%run_scoped3A_11, %dma_wait3A_49] : memref<10x512xi32, #tpu.memory_space<vmem>> -> memref<1x512xi32, #tpu.memory_space<vmem>>
      %dma_wait3A_51 = tpu.memref_squeeze %dma_wait3A_50 : memref<1x512xi32, #tpu.memory_space<vmem>> -> memref<512xi32, #tpu.memory_space<vmem>>
      %dma_wait3A_52 = tpu.memref_slice %arg2[%run_scoped3A_10, %mul3A_2] : memref<36x16384xi32, #tpu.memory_space<hbm>> -> memref<1x512xi32, #tpu.memory_space<hbm>>
      %dma_wait3A_53 = tpu.memref_squeeze %dma_wait3A_52 : memref<1x512xi32, #tpu.memory_space<hbm>> -> memref<512xi32, #tpu.memory_space<hbm>>
      tpu.wait_dma2 semaphore(%run_scoped3A_35 : memref<!tpu.dma_semaphore, #tpu.memory_space<semaphore_mem>>) src(%dma_wait3A_53 : memref<512xi32, #tpu.memory_space<hbm>>) dst(%dma_wait3A_51 : memref<512xi32, #tpu.memory_space<vmem>>)
      tpu.yield
    }) : () -> ()
    %run_scoped3A_12 = arith.constant 31 : i32
    %run_scoped3A_13 = arith.constant 5 : i32
    "tpu.region"() ({
      %run_scoped3A_35 = tpu.sem_alloc : memref<!tpu.dma_semaphore, #tpu.memory_space<semaphore_mem>>
      %dma_start3A = arith.constant 0 : i32
      %dma_start3A_36 = tpu.memref_slice %arg5[%run_scoped3A_13, %dma_start3A] : memref<10x512xi32, #tpu.memory_space<vmem>> -> memref<1x512xi32, #tpu.memory_space<vmem>>
      %dma_start3A_37 = tpu.memref_squeeze %dma_start3A_36 : memref<1x512xi32, #tpu.memory_space<vmem>> -> memref<512xi32, #tpu.memory_space<vmem>>
      %dma_start3A_38 = tpu.memref_slice %arg2[%run_scoped3A_12, %mul3A_2] : memref<36x16384xi32, #tpu.memory_space<hbm>> -> memref<1x512xi32, #tpu.memory_space<hbm>>
      %dma_start3A_39 = tpu.memref_squeeze %dma_start3A_38 : memref<1x512xi32, #tpu.memory_space<hbm>> -> memref<512xi32, #tpu.memory_space<hbm>>
      %dma_start3A_40 = arith.constant 0 : i32
      %dma_start3A_41 = tpu.memref_slice %arg5[%run_scoped3A_13, %dma_start3A_40] : memref<10x512xi32, #tpu.memory_space<vmem>> -> memref<1x512xi32, #tpu.memory_space<vmem>>
      %dma_start3A_42 = tpu.memref_squeeze %dma_start3A_41 : memref<1x512xi32, #tpu.memory_space<vmem>> -> memref<512xi32, #tpu.memory_space<vmem>>
      %dma_start3A_43 = tpu.memref_slice %arg2[%run_scoped3A_12, %mul3A_2] : memref<36x16384xi32, #tpu.memory_space<hbm>> -> memref<1x512xi32, #tpu.memory_space<hbm>>
      %dma_start3A_44 = tpu.memref_squeeze %dma_start3A_43 : memref<1x512xi32, #tpu.memory_space<hbm>> -> memref<512xi32, #tpu.memory_space<hbm>>
      tpu.enqueue_dma source(%dma_start3A_44 : memref<512xi32, #tpu.memory_space<hbm>>) target(%dma_start3A_42 : memref<512xi32, #tpu.memory_space<vmem>>) target_semaphore(%run_scoped3A_35 : memref<!tpu.dma_semaphore, #tpu.memory_space<semaphore_mem>>)
      %dma_wait3A = arith.constant 0 : i32
      %dma_wait3A_45 = tpu.memref_slice %arg5[%run_scoped3A_13, %dma_wait3A] : memref<10x512xi32, #tpu.memory_space<vmem>> -> memref<1x512xi32, #tpu.memory_space<vmem>>
      %dma_wait3A_46 = tpu.memref_squeeze %dma_wait3A_45 : memref<1x512xi32, #tpu.memory_space<vmem>> -> memref<512xi32, #tpu.memory_space<vmem>>
      %dma_wait3A_47 = tpu.memref_slice %arg2[%run_scoped3A_12, %mul3A_2] : memref<36x16384xi32, #tpu.memory_space<hbm>> -> memref<1x512xi32, #tpu.memory_space<hbm>>
      %dma_wait3A_48 = tpu.memref_squeeze %dma_wait3A_47 : memref<1x512xi32, #tpu.memory_space<hbm>> -> memref<512xi32, #tpu.memory_space<hbm>>
      %dma_wait3A_49 = arith.constant 0 : i32
      %dma_wait3A_50 = tpu.memref_slice %arg5[%run_scoped3A_13, %dma_wait3A_49] : memref<10x512xi32, #tpu.memory_space<vmem>> -> memref<1x512xi32, #tpu.memory_space<vmem>>
      %dma_wait3A_51 = tpu.memref_squeeze %dma_wait3A_50 : memref<1x512xi32, #tpu.memory_space<vmem>> -> memref<512xi32, #tpu.memory_space<vmem>>
      %dma_wait3A_52 = tpu.memref_slice %arg2[%run_scoped3A_12, %mul3A_2] : memref<36x16384xi32, #tpu.memory_space<hbm>> -> memref<1x512xi32, #tpu.memory_space<hbm>>
      %dma_wait3A_53 = tpu.memref_squeeze %dma_wait3A_52 : memref<1x512xi32, #tpu.memory_space<hbm>> -> memref<512xi32, #tpu.memory_space<hbm>>
      tpu.wait_dma2 semaphore(%run_scoped3A_35 : memref<!tpu.dma_semaphore, #tpu.memory_space<semaphore_mem>>) src(%dma_wait3A_53 : memref<512xi32, #tpu.memory_space<hbm>>) dst(%dma_wait3A_51 : memref<512xi32, #tpu.memory_space<vmem>>)
      tpu.yield
    }) : () -> ()
    %run_scoped3A_14 = arith.constant 32 : i32
    %run_scoped3A_15 = arith.constant 6 : i32
    "tpu.region"() ({
      %run_scoped3A_35 = tpu.sem_alloc : memref<!tpu.dma_semaphore, #tpu.memory_space<semaphore_mem>>
      %dma_start3A = arith.constant 0 : i32
      %dma_start3A_36 = tpu.memref_slice %arg5[%run_scoped3A_15, %dma_start3A] : memref<10x512xi32, #tpu.memory_space<vmem>> -> memref<1x512xi32, #tpu.memory_space<vmem>>
      %dma_start3A_37 = tpu.memref_squeeze %dma_start3A_36 : memref<1x512xi32, #tpu.memory_space<vmem>> -> memref<512xi32, #tpu.memory_space<vmem>>
      %dma_start3A_38 = tpu.memref_slice %arg2[%run_scoped3A_14, %mul3A_2] : memref<36x16384xi32, #tpu.memory_space<hbm>> -> memref<1x512xi32, #tpu.memory_space<hbm>>
      %dma_start3A_39 = tpu.memref_squeeze %dma_start3A_38 : memref<1x512xi32, #tpu.memory_space<hbm>> -> memref<512xi32, #tpu.memory_space<hbm>>
      %dma_start3A_40 = arith.constant 0 : i32
      %dma_start3A_41 = tpu.memref_slice %arg5[%run_scoped3A_15, %dma_start3A_40] : memref<10x512xi32, #tpu.memory_space<vmem>> -> memref<1x512xi32, #tpu.memory_space<vmem>>
      %dma_start3A_42 = tpu.memref_squeeze %dma_start3A_41 : memref<1x512xi32, #tpu.memory_space<vmem>> -> memref<512xi32, #tpu.memory_space<vmem>>
      %dma_start3A_43 = tpu.memref_slice %arg2[%run_scoped3A_14, %mul3A_2] : memref<36x16384xi32, #tpu.memory_space<hbm>> -> memref<1x512xi32, #tpu.memory_space<hbm>>
      %dma_start3A_44 = tpu.memref_squeeze %dma_start3A_43 : memref<1x512xi32, #tpu.memory_space<hbm>> -> memref<512xi32, #tpu.memory_space<hbm>>
      tpu.enqueue_dma source(%dma_start3A_44 : memref<512xi32, #tpu.memory_space<hbm>>) target(%dma_start3A_42 : memref<512xi32, #tpu.memory_space<vmem>>) target_semaphore(%run_scoped3A_35 : memref<!tpu.dma_semaphore, #tpu.memory_space<semaphore_mem>>)
      %dma_wait3A = arith.constant 0 : i32
      %dma_wait3A_45 = tpu.memref_slice %arg5[%run_scoped3A_15, %dma_wait3A] : memref<10x512xi32, #tpu.memory_space<vmem>> -> memref<1x512xi32, #tpu.memory_space<vmem>>
      %dma_wait3A_46 = tpu.memref_squeeze %dma_wait3A_45 : memref<1x512xi32, #tpu.memory_space<vmem>> -> memref<512xi32, #tpu.memory_space<vmem>>
      %dma_wait3A_47 = tpu.memref_slice %arg2[%run_scoped3A_14, %mul3A_2] : memref<36x16384xi32, #tpu.memory_space<hbm>> -> memref<1x512xi32, #tpu.memory_space<hbm>>
      %dma_wait3A_48 = tpu.memref_squeeze %dma_wait3A_47 : memref<1x512xi32, #tpu.memory_space<hbm>> -> memref<512xi32, #tpu.memory_space<hbm>>
      %dma_wait3A_49 = arith.constant 0 : i32
      %dma_wait3A_50 = tpu.memref_slice %arg5[%run_scoped3A_15, %dma_wait3A_49] : memref<10x512xi32, #tpu.memory_space<vmem>> -> memref<1x512xi32, #tpu.memory_space<vmem>>
      %dma_wait3A_51 = tpu.memref_squeeze %dma_wait3A_50 : memref<1x512xi32, #tpu.memory_space<vmem>> -> memref<512xi32, #tpu.memory_space<vmem>>
      %dma_wait3A_52 = tpu.memref_slice %arg2[%run_scoped3A_14, %mul3A_2] : memref<36x16384xi32, #tpu.memory_space<hbm>> -> memref<1x512xi32, #tpu.memory_space<hbm>>
      %dma_wait3A_53 = tpu.memref_squeeze %dma_wait3A_52 : memref<1x512xi32, #tpu.memory_space<hbm>> -> memref<512xi32, #tpu.memory_space<hbm>>
      tpu.wait_dma2 semaphore(%run_scoped3A_35 : memref<!tpu.dma_semaphore, #tpu.memory_space<semaphore_mem>>) src(%dma_wait3A_53 : memref<512xi32, #tpu.memory_space<hbm>>) dst(%dma_wait3A_51 : memref<512xi32, #tpu.memory_space<vmem>>)
      tpu.yield
    }) : () -> ()
    %run_scoped3A_16 = arith.constant 33 : i32
    %run_scoped3A_17 = arith.constant 7 : i32
    "tpu.region"() ({
      %run_scoped3A_35 = tpu.sem_alloc : memref<!tpu.dma_semaphore, #tpu.memory_space<semaphore_mem>>
      %dma_start3A = arith.constant 0 : i32
      %dma_start3A_36 = tpu.memref_slice %arg5[%run_scoped3A_17, %dma_start3A] : memref<10x512xi32, #tpu.memory_space<vmem>> -> memref<1x512xi32, #tpu.memory_space<vmem>>
      %dma_start3A_37 = tpu.memref_squeeze %dma_start3A_36 : memref<1x512xi32, #tpu.memory_space<vmem>> -> memref<512xi32, #tpu.memory_space<vmem>>
      %dma_start3A_38 = tpu.memref_slice %arg2[%run_scoped3A_16, %mul3A_2] : memref<36x16384xi32, #tpu.memory_space<hbm>> -> memref<1x512xi32, #tpu.memory_space<hbm>>
      %dma_start3A_39 = tpu.memref_squeeze %dma_start3A_38 : memref<1x512xi32, #tpu.memory_space<hbm>> -> memref<512xi32, #tpu.memory_space<hbm>>
      %dma_start3A_40 = arith.constant 0 : i32
      %dma_start3A_41 = tpu.memref_slice %arg5[%run_scoped3A_17, %dma_start3A_40] : memref<10x512xi32, #tpu.memory_space<vmem>> -> memref<1x512xi32, #tpu.memory_space<vmem>>
      %dma_start3A_42 = tpu.memref_squeeze %dma_start3A_41 : memref<1x512xi32, #tpu.memory_space<vmem>> -> memref<512xi32, #tpu.memory_space<vmem>>
      %dma_start3A_43 = tpu.memref_slice %arg2[%run_scoped3A_16, %mul3A_2] : memref<36x16384xi32, #tpu.memory_space<hbm>> -> memref<1x512xi32, #tpu.memory_space<hbm>>
      %dma_start3A_44 = tpu.memref_squeeze %dma_start3A_43 : memref<1x512xi32, #tpu.memory_space<hbm>> -> memref<512xi32, #tpu.memory_space<hbm>>
      tpu.enqueue_dma source(%dma_start3A_44 : memref<512xi32, #tpu.memory_space<hbm>>) target(%dma_start3A_42 : memref<512xi32, #tpu.memory_space<vmem>>) target_semaphore(%run_scoped3A_35 : memref<!tpu.dma_semaphore, #tpu.memory_space<semaphore_mem>>)
      %dma_wait3A = arith.constant 0 : i32
      %dma_wait3A_45 = tpu.memref_slice %arg5[%run_scoped3A_17, %dma_wait3A] : memref<10x512xi32, #tpu.memory_space<vmem>> -> memref<1x512xi32, #tpu.memory_space<vmem>>
      %dma_wait3A_46 = tpu.memref_squeeze %dma_wait3A_45 : memref<1x512xi32, #tpu.memory_space<vmem>> -> memref<512xi32, #tpu.memory_space<vmem>>
      %dma_wait3A_47 = tpu.memref_slice %arg2[%run_scoped3A_16, %mul3A_2] : memref<36x16384xi32, #tpu.memory_space<hbm>> -> memref<1x512xi32, #tpu.memory_space<hbm>>
      %dma_wait3A_48 = tpu.memref_squeeze %dma_wait3A_47 : memref<1x512xi32, #tpu.memory_space<hbm>> -> memref<512xi32, #tpu.memory_space<hbm>>
      %dma_wait3A_49 = arith.constant 0 : i32
      %dma_wait3A_50 = tpu.memref_slice %arg5[%run_scoped3A_17, %dma_wait3A_49] : memref<10x512xi32, #tpu.memory_space<vmem>> -> memref<1x512xi32, #tpu.memory_space<vmem>>
      %dma_wait3A_51 = tpu.memref_squeeze %dma_wait3A_50 : memref<1x512xi32, #tpu.memory_space<vmem>> -> memref<512xi32, #tpu.memory_space<vmem>>
      %dma_wait3A_52 = tpu.memref_slice %arg2[%run_scoped3A_16, %mul3A_2] : memref<36x16384xi32, #tpu.memory_space<hbm>> -> memref<1x512xi32, #tpu.memory_space<hbm>>
      %dma_wait3A_53 = tpu.memref_squeeze %dma_wait3A_52 : memref<1x512xi32, #tpu.memory_space<hbm>> -> memref<512xi32, #tpu.memory_space<hbm>>
      tpu.wait_dma2 semaphore(%run_scoped3A_35 : memref<!tpu.dma_semaphore, #tpu.memory_space<semaphore_mem>>) src(%dma_wait3A_53 : memref<512xi32, #tpu.memory_space<hbm>>) dst(%dma_wait3A_51 : memref<512xi32, #tpu.memory_space<vmem>>)
      tpu.yield
    }) : () -> ()
    %run_scoped3A_18 = arith.constant 34 : i32
    %run_scoped3A_19 = arith.constant 8 : i32
    "tpu.region"() ({
      %run_scoped3A_35 = tpu.sem_alloc : memref<!tpu.dma_semaphore, #tpu.memory_space<semaphore_mem>>
      %dma_start3A = arith.constant 0 : i32
      %dma_start3A_36 = tpu.memref_slice %arg5[%run_scoped3A_19, %dma_start3A] : memref<10x512xi32, #tpu.memory_space<vmem>> -> memref<1x512xi32, #tpu.memory_space<vmem>>
      %dma_start3A_37 = tpu.memref_squeeze %dma_start3A_36 : memref<1x512xi32, #tpu.memory_space<vmem>> -> memref<512xi32, #tpu.memory_space<vmem>>
      %dma_start3A_38 = tpu.memref_slice %arg2[%run_scoped3A_18, %mul3A_2] : memref<36x16384xi32, #tpu.memory_space<hbm>> -> memref<1x512xi32, #tpu.memory_space<hbm>>
      %dma_start3A_39 = tpu.memref_squeeze %dma_start3A_38 : memref<1x512xi32, #tpu.memory_space<hbm>> -> memref<512xi32, #tpu.memory_space<hbm>>
      %dma_start3A_40 = arith.constant 0 : i32
      %dma_start3A_41 = tpu.memref_slice %arg5[%run_scoped3A_19, %dma_start3A_40] : memref<10x512xi32, #tpu.memory_space<vmem>> -> memref<1x512xi32, #tpu.memory_space<vmem>>
      %dma_start3A_42 = tpu.memref_squeeze %dma_start3A_41 : memref<1x512xi32, #tpu.memory_space<vmem>> -> memref<512xi32, #tpu.memory_space<vmem>>
      %dma_start3A_43 = tpu.memref_slice %arg2[%run_scoped3A_18, %mul3A_2] : memref<36x16384xi32, #tpu.memory_space<hbm>> -> memref<1x512xi32, #tpu.memory_space<hbm>>
      %dma_start3A_44 = tpu.memref_squeeze %dma_start3A_43 : memref<1x512xi32, #tpu.memory_space<hbm>> -> memref<512xi32, #tpu.memory_space<hbm>>
      tpu.enqueue_dma source(%dma_start3A_44 : memref<512xi32, #tpu.memory_space<hbm>>) target(%dma_start3A_42 : memref<512xi32, #tpu.memory_space<vmem>>) target_semaphore(%run_scoped3A_35 : memref<!tpu.dma_semaphore, #tpu.memory_space<semaphore_mem>>)
      %dma_wait3A = arith.constant 0 : i32
      %dma_wait3A_45 = tpu.memref_slice %arg5[%run_scoped3A_19, %dma_wait3A] : memref<10x512xi32, #tpu.memory_space<vmem>> -> memref<1x512xi32, #tpu.memory_space<vmem>>
      %dma_wait3A_46 = tpu.memref_squeeze %dma_wait3A_45 : memref<1x512xi32, #tpu.memory_space<vmem>> -> memref<512xi32, #tpu.memory_space<vmem>>
      %dma_wait3A_47 = tpu.memref_slice %arg2[%run_scoped3A_18, %mul3A_2] : memref<36x16384xi32, #tpu.memory_space<hbm>> -> memref<1x512xi32, #tpu.memory_space<hbm>>
      %dma_wait3A_48 = tpu.memref_squeeze %dma_wait3A_47 : memref<1x512xi32, #tpu.memory_space<hbm>> -> memref<512xi32, #tpu.memory_space<hbm>>
      %dma_wait3A_49 = arith.constant 0 : i32
      %dma_wait3A_50 = tpu.memref_slice %arg5[%run_scoped3A_19, %dma_wait3A_49] : memref<10x512xi32, #tpu.memory_space<vmem>> -> memref<1x512xi32, #tpu.memory_space<vmem>>
      %dma_wait3A_51 = tpu.memref_squeeze %dma_wait3A_50 : memref<1x512xi32, #tpu.memory_space<vmem>> -> memref<512xi32, #tpu.memory_space<vmem>>
      %dma_wait3A_52 = tpu.memref_slice %arg2[%run_scoped3A_18, %mul3A_2] : memref<36x16384xi32, #tpu.memory_space<hbm>> -> memref<1x512xi32, #tpu.memory_space<hbm>>
      %dma_wait3A_53 = tpu.memref_squeeze %dma_wait3A_52 : memref<1x512xi32, #tpu.memory_space<hbm>> -> memref<512xi32, #tpu.memory_space<hbm>>
      tpu.wait_dma2 semaphore(%run_scoped3A_35 : memref<!tpu.dma_semaphore, #tpu.memory_space<semaphore_mem>>) src(%dma_wait3A_53 : memref<512xi32, #tpu.memory_space<hbm>>) dst(%dma_wait3A_51 : memref<512xi32, #tpu.memory_space<vmem>>)
      tpu.yield
    }) : () -> ()
    %run_scoped3A_20 = arith.constant 35 : i32
    %run_scoped3A_21 = arith.constant 9 : i32
    "tpu.region"() ({
      %run_scoped3A_35 = tpu.sem_alloc : memref<!tpu.dma_semaphore, #tpu.memory_space<semaphore_mem>>
      %dma_start3A = arith.constant 0 : i32
      %dma_start3A_36 = tpu.memref_slice %arg5[%run_scoped3A_21, %dma_start3A] : memref<10x512xi32, #tpu.memory_space<vmem>> -> memref<1x512xi32, #tpu.memory_space<vmem>>
      %dma_start3A_37 = tpu.memref_squeeze %dma_start3A_36 : memref<1x512xi32, #tpu.memory_space<vmem>> -> memref<512xi32, #tpu.memory_space<vmem>>
      %dma_start3A_38 = tpu.memref_slice %arg2[%run_scoped3A_20, %mul3A_2] : memref<36x16384xi32, #tpu.memory_space<hbm>> -> memref<1x512xi32, #tpu.memory_space<hbm>>
      %dma_start3A_39 = tpu.memref_squeeze %dma_start3A_38 : memref<1x512xi32, #tpu.memory_space<hbm>> -> memref<512xi32, #tpu.memory_space<hbm>>
      %dma_start3A_40 = arith.constant 0 : i32
      %dma_start3A_41 = tpu.memref_slice %arg5[%run_scoped3A_21, %dma_start3A_40] : memref<10x512xi32, #tpu.memory_space<vmem>> -> memref<1x512xi32, #tpu.memory_space<vmem>>
      %dma_start3A_42 = tpu.memref_squeeze %dma_start3A_41 : memref<1x512xi32, #tpu.memory_space<vmem>> -> memref<512xi32, #tpu.memory_space<vmem>>
      %dma_start3A_43 = tpu.memref_slice %arg2[%run_scoped3A_20, %mul3A_2] : memref<36x16384xi32, #tpu.memory_space<hbm>> -> memref<1x512xi32, #tpu.memory_space<hbm>>
      %dma_start3A_44 = tpu.memref_squeeze %dma_start3A_43 : memref<1x512xi32, #tpu.memory_space<hbm>> -> memref<512xi32, #tpu.memory_space<hbm>>
      tpu.enqueue_dma source(%dma_start3A_44 : memref<512xi32, #tpu.memory_space<hbm>>) target(%dma_start3A_42 : memref<512xi32, #tpu.memory_space<vmem>>) target_semaphore(%run_scoped3A_35 : memref<!tpu.dma_semaphore, #tpu.memory_space<semaphore_mem>>)
      %dma_wait3A = arith.constant 0 : i32
      %dma_wait3A_45 = tpu.memref_slice %arg5[%run_scoped3A_21, %dma_wait3A] : memref<10x512xi32, #tpu.memory_space<vmem>> -> memref<1x512xi32, #tpu.memory_space<vmem>>
      %dma_wait3A_46 = tpu.memref_squeeze %dma_wait3A_45 : memref<1x512xi32, #tpu.memory_space<vmem>> -> memref<512xi32, #tpu.memory_space<vmem>>
      %dma_wait3A_47 = tpu.memref_slice %arg2[%run_scoped3A_20, %mul3A_2] : memref<36x16384xi32, #tpu.memory_space<hbm>> -> memref<1x512xi32, #tpu.memory_space<hbm>>
      %dma_wait3A_48 = tpu.memref_squeeze %dma_wait3A_47 : memref<1x512xi32, #tpu.memory_space<hbm>> -> memref<512xi32, #tpu.memory_space<hbm>>
      %dma_wait3A_49 = arith.constant 0 : i32
      %dma_wait3A_50 = tpu.memref_slice %arg5[%run_scoped3A_21, %dma_wait3A_49] : memref<10x512xi32, #tpu.memory_space<vmem>> -> memref<1x512xi32, #tpu.memory_space<vmem>>
      %dma_wait3A_51 = tpu.memref_squeeze %dma_wait3A_50 : memref<1x512xi32, #tpu.memory_space<vmem>> -> memref<512xi32, #tpu.memory_space<vmem>>
      %dma_wait3A_52 = tpu.memref_slice %arg2[%run_scoped3A_20, %mul3A_2] : memref<36x16384xi32, #tpu.memory_space<hbm>> -> memref<1x512xi32, #tpu.memory_space<hbm>>
      %dma_wait3A_53 = tpu.memref_squeeze %dma_wait3A_52 : memref<1x512xi32, #tpu.memory_space<hbm>> -> memref<512xi32, #tpu.memory_space<hbm>>
      tpu.wait_dma2 semaphore(%run_scoped3A_35 : memref<!tpu.dma_semaphore, #tpu.memory_space<semaphore_mem>>) src(%dma_wait3A_53 : memref<512xi32, #tpu.memory_space<hbm>>) dst(%dma_wait3A_51 : memref<512xi32, #tpu.memory_space<vmem>>)
      tpu.yield
    }) : () -> ()
    %scan3A = arith.constant 0 : i32
    %scan3A_22 = arith.constant 0 : i32
    %scan3A_23 = arith.constant 640 : i32
    %scan3A_24 = arith.addi %scan3A_22, %scan3A_23 : i32
    %scan3A_25 = arith.constant 1 : i32
    %scan3A_26 = scf.for %scan3A_35 = %scan3A_22 to %scan3A_24 step %scan3A_25 iter_args(%scan3A_36 = %scan3A) -> (i32)  : i32 {
      %jit3A = arith.constant 4 : i32
      %div3A = arith.divsi %scan3A_35, %jit3A : i32
      %sign3A = arith.constant 0 : i32
      %sign3A_37 = arith.cmpi sgt, %scan3A_35, %sign3A : i32
      %sign3A_38 = arith.extui %sign3A_37 : i1 to i32
      %sign3A_39 = arith.constant 0 : i32
      %sign3A_40 = arith.cmpi slt, %scan3A_35, %sign3A_39 : i32
      %sign3A_41 = arith.extui %sign3A_40 : i1 to i32
      %sign3A_42 = arith.subi %sign3A_38, %sign3A_41 : i32
      %sign3A_43 = arith.constant 0 : i32
      %sign3A_44 = arith.cmpi sgt, %jit3A, %sign3A_43 : i32
      %sign3A_45 = arith.extui %sign3A_44 : i1 to i32
      %sign3A_46 = arith.constant 0 : i32
      %sign3A_47 = arith.cmpi slt, %jit3A, %sign3A_46 : i32
      %sign3A_48 = arith.extui %sign3A_47 : i1 to i32
      %sign3A_49 = arith.subi %sign3A_45, %sign3A_48 : i32
      %ne3A = arith.cmpi ne, %sign3A_42, %sign3A_49 : i32
      %rem3A = arith.remsi %scan3A_35, %jit3A : i32
      %ne3A_50 = arith.constant 0 : i32
      %ne3A_51 = arith.cmpi ne, %rem3A, %ne3A_50 : i32
      %and3A = arith.andi %ne3A, %ne3A_51 : i1
      %sub3A = arith.constant 1 : i32
      %sub3A_52 = arith.subi %div3A, %sub3A : i32
      %select_n3A = arith.select %and3A, %sub3A_52, %div3A : i32
      %jit3A_53 = arith.constant 4 : i32
      %eq3A = arith.constant 0 : i32
      %eq3A_54 = arith.cmpi eq, %jit3A_53, %eq3A : i32
      %jit3A_55 = arith.constant 1 : i32
      %select_n3A_56 = arith.select %eq3A_54, %jit3A_55, %jit3A_53 : i32
      %rem3A_57 = arith.remsi %scan3A_35, %select_n3A_56 : i32
      %ne3A_58 = arith.constant 0 : i32
      %ne3A_59 = arith.cmpi ne, %rem3A_57, %ne3A_58 : i32
      %lt3A = arith.constant 0 : i32
      %lt3A_60 = arith.cmpi slt, %rem3A_57, %lt3A : i32
      %lt3A_61 = arith.constant 0 : i32
      %lt3A_62 = arith.cmpi slt, %select_n3A_56, %lt3A_61 : i32
      %ne3A_63 = arith.xori %lt3A_60, %lt3A_62 : i1
      %and3A_64 = arith.andi %ne3A_63, %ne3A_59 : i1
      %add3A_65 = arith.addi %rem3A_57, %select_n3A_56 : i32
      %select_n3A_66 = arith.select %and3A_64, %add3A_65, %rem3A_57 : i32
      %jit3A_67 = arith.constant 16 : i32
      %div3A_68 = arith.divsi %select_n3A, %jit3A_67 : i32
      %sign3A_69 = arith.constant 0 : i32
      %sign3A_70 = arith.cmpi sgt, %select_n3A, %sign3A_69 : i32
      %sign3A_71 = arith.extui %sign3A_70 : i1 to i32
      %sign3A_72 = arith.constant 0 : i32
      %sign3A_73 = arith.cmpi slt, %select_n3A, %sign3A_72 : i32
      %sign3A_74 = arith.extui %sign3A_73 : i1 to i32
      %sign3A_75 = arith.subi %sign3A_71, %sign3A_74 : i32
      %sign3A_76 = arith.constant 0 : i32
      %sign3A_77 = arith.cmpi sgt, %jit3A_67, %sign3A_76 : i32
      %sign3A_78 = arith.extui %sign3A_77 : i1 to i32
      %sign3A_79 = arith.constant 0 : i32
      %sign3A_80 = arith.cmpi slt, %jit3A_67, %sign3A_79 : i32
      %sign3A_81 = arith.extui %sign3A_80 : i1 to i32
      %sign3A_82 = arith.subi %sign3A_78, %sign3A_81 : i32
      %ne3A_83 = arith.cmpi ne, %sign3A_75, %sign3A_82 : i32
      %rem3A_84 = arith.remsi %select_n3A, %jit3A_67 : i32
      %ne3A_85 = arith.constant 0 : i32
      %ne3A_86 = arith.cmpi ne, %rem3A_84, %ne3A_85 : i32
      %and3A_87 = arith.andi %ne3A_83, %ne3A_86 : i1
      %sub3A_88 = arith.constant 1 : i32
      %sub3A_89 = arith.subi %div3A_68, %sub3A_88 : i32
      %select_n3A_90 = arith.select %and3A_87, %sub3A_89, %div3A_68 : i32
      %jit3A_91 = arith.constant 16 : i32
      %eq3A_92 = arith.constant 0 : i32
      %eq3A_93 = arith.cmpi eq, %jit3A_91, %eq3A_92 : i32
      %jit3A_94 = arith.constant 1 : i32
      %select_n3A_95 = arith.select %eq3A_93, %jit3A_94, %jit3A_91 : i32
      %rem3A_96 = arith.remsi %select_n3A, %select_n3A_95 : i32
      %ne3A_97 = arith.constant 0 : i32
      %ne3A_98 = arith.cmpi ne, %rem3A_96, %ne3A_97 : i32
      %lt3A_99 = arith.constant 0 : i32
      %lt3A_100 = arith.cmpi slt, %rem3A_96, %lt3A_99 : i32
      %lt3A_101 = arith.constant 0 : i32
      %lt3A_102 = arith.cmpi slt, %select_n3A_95, %lt3A_101 : i32
      %ne3A_103 = arith.xori %lt3A_100, %lt3A_102 : i1
      %and3A_104 = arith.andi %ne3A_103, %ne3A_98 : i1
      %add3A_105 = arith.addi %rem3A_96, %select_n3A_95 : i32
      %select_n3A_106 = arith.select %and3A_104, %add3A_105, %rem3A_96 : i32
      %mul3A_107 = arith.constant 128 : i32
      %mul3A_108 = arith.muli %select_n3A_66, %mul3A_107 : i32
      %mul3A_109 = arith.constant 128 : i32
      %mul3A_110 = arith.muli %select_n3A_66, %mul3A_109 : i32
      %dma_start3A = arith.constant 0 : i32
      %dma_start3A_111 = arith.constant 0 : i32
      %dma_start3A_112 = tpu.memref_slice %arg6[%select_n3A_90, %dma_start3A, %dma_start3A_111] : memref<10x16x512xf32, #tpu.memory_space<vmem>> -> memref<1x16x512xf32, #tpu.memory_space<vmem>>
      %dma_start3A_113 = tpu.memref_squeeze %dma_start3A_112 : memref<1x16x512xf32, #tpu.memory_space<vmem>> -> memref<16x512xf32, #tpu.memory_space<vmem>>
      %dma_start3A_114 = arith.constant 0 : i32
      %dma_start3A_115 = tpu.memref_slice %dma_start3A_113[%select_n3A_106, %dma_start3A_114] : memref<16x512xf32, #tpu.memory_space<vmem>> -> memref<1x512xf32, #tpu.memory_space<vmem>>
      %dma_start3A_116 = tpu.memref_squeeze %dma_start3A_115 : memref<1x512xf32, #tpu.memory_space<vmem>> -> memref<512xf32, #tpu.memory_space<vmem>>
      %dma_start3A_117 = tpu.memref_slice %dma_start3A_116[%mul3A_110] : memref<512xf32, #tpu.memory_space<vmem>> -> memref<128xf32, #tpu.memory_space<vmem>>
      %dma_start3A_118 = arith.constant 0 : i32
      %dma_start3A_119 = tpu.memref_slice %arg5[%select_n3A_90, %dma_start3A_118] : memref<10x512xi32, #tpu.memory_space<vmem>> -> memref<1x512xi32, #tpu.memory_space<vmem>>
      %dma_start3A_120 = tpu.memref_squeeze %dma_start3A_119 : memref<1x512xi32, #tpu.memory_space<vmem>> -> memref<512xi32, #tpu.memory_space<vmem>>
      %dma_start3A_121 = tpu.memref_slice %dma_start3A_120[%mul3A_108] : memref<512xi32, #tpu.memory_space<vmem>> -> memref<128xi32, #tpu.memory_space<vmem>>
      %dma_start3A_122 = arith.constant 0 : i32
      %dma_start3A_123 = arith.constant 0 : i32
      %dma_start3A_124 = tpu.memref_slice %arg3[%select_n3A_90, %dma_start3A_122, %dma_start3A_123] : memref<10x16x100352xf32, #tpu.memory_space<hbm>> -> memref<1x16x100352xf32, #tpu.memory_space<hbm>>
      %dma_start3A_125 = tpu.memref_squeeze %dma_start3A_124 : memref<1x16x100352xf32, #tpu.memory_space<hbm>> -> memref<16x100352xf32, #tpu.memory_space<hbm>>
      %dma_start3A_126 = arith.constant 0 : i32
      %dma_start3A_127 = tpu.memref_slice %dma_start3A_125[%select_n3A_106, %dma_start3A_126] : memref<16x100352xf32, #tpu.memory_space<hbm>> -> memref<1x100352xf32, #tpu.memory_space<hbm>>
      %dma_start3A_128 = tpu.memref_squeeze %dma_start3A_127 : memref<1x100352xf32, #tpu.memory_space<hbm>> -> memref<100352xf32, #tpu.memory_space<hbm>>
      %dma_start3A_129 = arith.constant 0 : i32
      %dma_start3A_130 = tpu.memref_slice %dma_start3A_128[%dma_start3A_129] : memref<100352xf32, #tpu.memory_space<hbm>> -> memref<100352xf32, #tpu.memory_space<hbm>>
      tpu.enqueue_indirect_dma source(%dma_start3A_130 : memref<100352xf32, #tpu.memory_space<hbm>>) target(%dma_start3A_117 : memref<128xf32, #tpu.memory_space<vmem>>) offsets(%dma_start3A_121 : memref<128xi32, #tpu.memory_space<vmem>>) semaphore(%arg7 : memref<!tpu.dma_semaphore, #tpu.memory_space<semaphore_mem>>)
      %ge3A = arith.constant 48 : i32
      %ge3A_131 = arith.cmpi sge, %scan3A_35, %ge3A : i32
      %convert_element_type3A = arith.extui %ge3A_131 : i1 to i32
      %cond3A = arith.constant 0 : i32
      %cond3A_132 = arith.cmpi ne, %convert_element_type3A, %cond3A : i32
      scf.if %cond3A_132 {
        %sub3A_134 = arith.constant 48 : i32
        %sub3A_135 = arith.subi %scan3A_35, %sub3A_134 : i32
        %jit3A_136 = arith.constant 4 : i32
        %div3A_137 = arith.divsi %sub3A_135, %jit3A_136 : i32
        %sign3A_138 = arith.constant 0 : i32
        %sign3A_139 = arith.cmpi sgt, %sub3A_135, %sign3A_138 : i32
        %sign3A_140 = arith.extui %sign3A_139 : i1 to i32
        %sign3A_141 = arith.constant 0 : i32
        %sign3A_142 = arith.cmpi slt, %sub3A_135, %sign3A_141 : i32
        %sign3A_143 = arith.extui %sign3A_142 : i1 to i32
        %sign3A_144 = arith.subi %sign3A_140, %sign3A_143 : i32
        %sign3A_145 = arith.constant 0 : i32
        %sign3A_146 = arith.cmpi sgt, %jit3A_136, %sign3A_145 : i32
        %sign3A_147 = arith.extui %sign3A_146 : i1 to i32
        %sign3A_148 = arith.constant 0 : i32
        %sign3A_149 = arith.cmpi slt, %jit3A_136, %sign3A_148 : i32
        %sign3A_150 = arith.extui %sign3A_149 : i1 to i32
        %sign3A_151 = arith.subi %sign3A_147, %sign3A_150 : i32
        %ne3A_152 = arith.cmpi ne, %sign3A_144, %sign3A_151 : i32
        %rem3A_153 = arith.remsi %sub3A_135, %jit3A_136 : i32
        %ne3A_154 = arith.constant 0 : i32
        %ne3A_155 = arith.cmpi ne, %rem3A_153, %ne3A_154 : i32
        %and3A_156 = arith.andi %ne3A_152, %ne3A_155 : i1
        %sub3A_157 = arith.constant 1 : i32
        %sub3A_158 = arith.subi %div3A_137, %sub3A_157 : i32
        %select_n3A_159 = arith.select %and3A_156, %sub3A_158, %div3A_137 : i32
        %jit3A_160 = arith.constant 4 : i32
        %eq3A_161 = arith.constant 0 : i32
        %eq3A_162 = arith.cmpi eq, %jit3A_160, %eq3A_161 : i32
        %jit3A_163 = arith.constant 1 : i32
        %select_n3A_164 = arith.select %eq3A_162, %jit3A_163, %jit3A_160 : i32
        %rem3A_165 = arith.remsi %sub3A_135, %select_n3A_164 : i32
        %ne3A_166 = arith.constant 0 : i32
        %ne3A_167 = arith.cmpi ne, %rem3A_165, %ne3A_166 : i32
        %lt3A_168 = arith.constant 0 : i32
        %lt3A_169 = arith.cmpi slt, %rem3A_165, %lt3A_168 : i32
        %lt3A_170 = arith.constant 0 : i32
        %lt3A_171 = arith.cmpi slt, %select_n3A_164, %lt3A_170 : i32
        %ne3A_172 = arith.xori %lt3A_169, %lt3A_171 : i1
        %and3A_173 = arith.andi %ne3A_172, %ne3A_167 : i1
        %add3A_174 = arith.addi %rem3A_165, %select_n3A_164 : i32
        %select_n3A_175 = arith.select %and3A_173, %add3A_174, %rem3A_165 : i32
        %jit3A_176 = arith.constant 16 : i32
        %div3A_177 = arith.divsi %select_n3A_159, %jit3A_176 : i32
        %sign3A_178 = arith.constant 0 : i32
        %sign3A_179 = arith.cmpi sgt, %select_n3A_159, %sign3A_178 : i32
        %sign3A_180 = arith.extui %sign3A_179 : i1 to i32
        %sign3A_181 = arith.constant 0 : i32
        %sign3A_182 = arith.cmpi slt, %select_n3A_159, %sign3A_181 : i32
        %sign3A_183 = arith.extui %sign3A_182 : i1 to i32
        %sign3A_184 = arith.subi %sign3A_180, %sign3A_183 : i32
        %sign3A_185 = arith.constant 0 : i32
        %sign3A_186 = arith.cmpi sgt, %jit3A_176, %sign3A_185 : i32
        %sign3A_187 = arith.extui %sign3A_186 : i1 to i32
        %sign3A_188 = arith.constant 0 : i32
        %sign3A_189 = arith.cmpi slt, %jit3A_176, %sign3A_188 : i32
        %sign3A_190 = arith.extui %sign3A_189 : i1 to i32
        %sign3A_191 = arith.subi %sign3A_187, %sign3A_190 : i32
        %ne3A_192 = arith.cmpi ne, %sign3A_184, %sign3A_191 : i32
        %rem3A_193 = arith.remsi %select_n3A_159, %jit3A_176 : i32
        %ne3A_194 = arith.constant 0 : i32
        %ne3A_195 = arith.cmpi ne, %rem3A_193, %ne3A_194 : i32
        %and3A_196 = arith.andi %ne3A_192, %ne3A_195 : i1
        %sub3A_197 = arith.constant 1 : i32
        %sub3A_198 = arith.subi %div3A_177, %sub3A_197 : i32
        %select_n3A_199 = arith.select %and3A_196, %sub3A_198, %div3A_177 : i32
        %jit3A_200 = arith.constant 16 : i32
        %eq3A_201 = arith.constant 0 : i32
        %eq3A_202 = arith.cmpi eq, %jit3A_200, %eq3A_201 : i32
        %jit3A_203 = arith.constant 1 : i32
        %select_n3A_204 = arith.select %eq3A_202, %jit3A_203, %jit3A_200 : i32
        %rem3A_205 = arith.remsi %select_n3A_159, %select_n3A_204 : i32
        %ne3A_206 = arith.constant 0 : i32
        %ne3A_207 = arith.cmpi ne, %rem3A_205, %ne3A_206 : i32
        %lt3A_208 = arith.constant 0 : i32
        %lt3A_209 = arith.cmpi slt, %rem3A_205, %lt3A_208 : i32
        %lt3A_210 = arith.constant 0 : i32
        %lt3A_211 = arith.cmpi slt, %select_n3A_204, %lt3A_210 : i32
        %ne3A_212 = arith.xori %lt3A_209, %lt3A_211 : i1
        %and3A_213 = arith.andi %ne3A_212, %ne3A_207 : i1
        %add3A_214 = arith.addi %rem3A_205, %select_n3A_204 : i32
        %select_n3A_215 = arith.select %and3A_213, %add3A_214, %rem3A_205 : i32
        %mul3A_216 = arith.constant 128 : i32
        %mul3A_217 = arith.muli %select_n3A_175, %mul3A_216 : i32
        %mul3A_218 = arith.constant 128 : i32
        %mul3A_219 = arith.muli %select_n3A_175, %mul3A_218 : i32
        %dma_wait3A = arith.constant 0 : i32
        %dma_wait3A_220 = arith.constant 0 : i32
        %dma_wait3A_221 = tpu.memref_slice %arg6[%select_n3A_199, %dma_wait3A, %dma_wait3A_220] : memref<10x16x512xf32, #tpu.memory_space<vmem>> -> memref<1x16x512xf32, #tpu.memory_space<vmem>>
        %dma_wait3A_222 = tpu.memref_squeeze %dma_wait3A_221 : memref<1x16x512xf32, #tpu.memory_space<vmem>> -> memref<16x512xf32, #tpu.memory_space<vmem>>
        %dma_wait3A_223 = arith.constant 0 : i32
        %dma_wait3A_224 = tpu.memref_slice %dma_wait3A_222[%select_n3A_215, %dma_wait3A_223] : memref<16x512xf32, #tpu.memory_space<vmem>> -> memref<1x512xf32, #tpu.memory_space<vmem>>
        %dma_wait3A_225 = tpu.memref_squeeze %dma_wait3A_224 : memref<1x512xf32, #tpu.memory_space<vmem>> -> memref<512xf32, #tpu.memory_space<vmem>>
        %dma_wait3A_226 = tpu.memref_slice %dma_wait3A_225[%mul3A_219] : memref<512xf32, #tpu.memory_space<vmem>> -> memref<128xf32, #tpu.memory_space<vmem>>
        %dma_wait3A_227 = arith.constant 0 : i32
        %dma_wait3A_228 = tpu.memref_slice %arg5[%select_n3A_199, %dma_wait3A_227] : memref<10x512xi32, #tpu.memory_space<vmem>> -> memref<1x512xi32, #tpu.memory_space<vmem>>
        %dma_wait3A_229 = tpu.memref_squeeze %dma_wait3A_228 : memref<1x512xi32, #tpu.memory_space<vmem>> -> memref<512xi32, #tpu.memory_space<vmem>>
        %dma_wait3A_230 = tpu.memref_slice %dma_wait3A_229[%mul3A_217] : memref<512xi32, #tpu.memory_space<vmem>> -> memref<128xi32, #tpu.memory_space<vmem>>
        %dma_wait3A_231 = arith.constant 0 : i32
        %dma_wait3A_232 = arith.constant 0 : i32
        %dma_wait3A_233 = tpu.memref_slice %arg3[%select_n3A_199, %dma_wait3A_231, %dma_wait3A_232] : memref<10x16x100352xf32, #tpu.memory_space<hbm>> -> memref<1x16x100352xf32, #tpu.memory_space<hbm>>
        %dma_wait3A_234 = tpu.memref_squeeze %dma_wait3A_233 : memref<1x16x100352xf32, #tpu.memory_space<hbm>> -> memref<16x100352xf32, #tpu.memory_space<hbm>>
        %dma_wait3A_235 = arith.constant 0 : i32
        %dma_wait3A_236 = tpu.memref_slice %dma_wait3A_234[%select_n3A_215, %dma_wait3A_235] : memref<16x100352xf32, #tpu.memory_space<hbm>> -> memref<1x100352xf32, #tpu.memory_space<hbm>>
        %dma_wait3A_237 = tpu.memref_squeeze %dma_wait3A_236 : memref<1x100352xf32, #tpu.memory_space<hbm>> -> memref<100352xf32, #tpu.memory_space<hbm>>
        %dma_wait3A_238 = arith.constant 0 : i32
        %dma_wait3A_239 = tpu.memref_slice %dma_wait3A_237[%dma_wait3A_238] : memref<100352xf32, #tpu.memory_space<hbm>> -> memref<100352xf32, #tpu.memory_space<hbm>>
        tpu.wait_indirect_dma semaphore(%arg7 : memref<!tpu.dma_semaphore, #tpu.memory_space<semaphore_mem>>) src(%dma_wait3A_239 : memref<100352xf32, #tpu.memory_space<hbm>>) dst(%dma_wait3A_226 : memref<128xf32, #tpu.memory_space<vmem>>)
      } else {
      }
      %scan3A_133 = arith.constant 0 : i32
      scf.yield %scan3A_133 : i32
    }
    %scan3A_27 = arith.constant 640 : i32
    %scan3A_28 = arith.constant 0 : i32
    %scan3A_29 = arith.constant 592 : i32
    %scan3A_30 = arith.constant 48 : i32
    %scan3A_31 = arith.addi %scan3A_29, %scan3A_30 : i32
    %scan3A_32 = arith.constant 1 : i32
    %scan3A_33 = scf.for %scan3A_35 = %scan3A_29 to %scan3A_31 step %scan3A_32 iter_args(%scan3A_36 = %scan3A_28) -> (i32)  : i32 {
      %jit3A = arith.constant 4 : i32
      %div3A = arith.divsi %scan3A_35, %jit3A : i32
      %sign3A = arith.constant 0 : i32
      %sign3A_37 = arith.cmpi sgt, %scan3A_35, %sign3A : i32
      %sign3A_38 = arith.extui %sign3A_37 : i1 to i32
      %sign3A_39 = arith.constant 0 : i32
      %sign3A_40 = arith.cmpi slt, %scan3A_35, %sign3A_39 : i32
      %sign3A_41 = arith.extui %sign3A_40 : i1 to i32
      %sign3A_42 = arith.subi %sign3A_38, %sign3A_41 : i32
      %sign3A_43 = arith.constant 0 : i32
      %sign3A_44 = arith.cmpi sgt, %jit3A, %sign3A_43 : i32
      %sign3A_45 = arith.extui %sign3A_44 : i1 to i32
      %sign3A_46 = arith.constant 0 : i32
      %sign3A_47 = arith.cmpi slt, %jit3A, %sign3A_46 : i32
      %sign3A_48 = arith.extui %sign3A_47 : i1 to i32
      %sign3A_49 = arith.subi %sign3A_45, %sign3A_48 : i32
      %ne3A = arith.cmpi ne, %sign3A_42, %sign3A_49 : i32
      %rem3A = arith.remsi %scan3A_35, %jit3A : i32
      %ne3A_50 = arith.constant 0 : i32
      %ne3A_51 = arith.cmpi ne, %rem3A, %ne3A_50 : i32
      %and3A = arith.andi %ne3A, %ne3A_51 : i1
      %sub3A = arith.constant 1 : i32
      %sub3A_52 = arith.subi %div3A, %sub3A : i32
      %select_n3A = arith.select %and3A, %sub3A_52, %div3A : i32
      %jit3A_53 = arith.constant 4 : i32
      %eq3A = arith.constant 0 : i32
      %eq3A_54 = arith.cmpi eq, %jit3A_53, %eq3A : i32
      %jit3A_55 = arith.constant 1 : i32
      %select_n3A_56 = arith.select %eq3A_54, %jit3A_55, %jit3A_53 : i32
      %rem3A_57 = arith.remsi %scan3A_35, %select_n3A_56 : i32
      %ne3A_58 = arith.constant 0 : i32
      %ne3A_59 = arith.cmpi ne, %rem3A_57, %ne3A_58 : i32
      %lt3A = arith.constant 0 : i32
      %lt3A_60 = arith.cmpi slt, %rem3A_57, %lt3A : i32
      %lt3A_61 = arith.constant 0 : i32
      %lt3A_62 = arith.cmpi slt, %select_n3A_56, %lt3A_61 : i32
      %ne3A_63 = arith.xori %lt3A_60, %lt3A_62 : i1
      %and3A_64 = arith.andi %ne3A_63, %ne3A_59 : i1
      %add3A_65 = arith.addi %rem3A_57, %select_n3A_56 : i32
      %select_n3A_66 = arith.select %and3A_64, %add3A_65, %rem3A_57 : i32
      %jit3A_67 = arith.constant 16 : i32
      %div3A_68 = arith.divsi %select_n3A, %jit3A_67 : i32
      %sign3A_69 = arith.constant 0 : i32
      %sign3A_70 = arith.cmpi sgt, %select_n3A, %sign3A_69 : i32
      %sign3A_71 = arith.extui %sign3A_70 : i1 to i32
      %sign3A_72 = arith.constant 0 : i32
      %sign3A_73 = arith.cmpi slt, %select_n3A, %sign3A_72 : i32
      %sign3A_74 = arith.extui %sign3A_73 : i1 to i32
      %sign3A_75 = arith.subi %sign3A_71, %sign3A_74 : i32
      %sign3A_76 = arith.constant 0 : i32
      %sign3A_77 = arith.cmpi sgt, %jit3A_67, %sign3A_76 : i32
      %sign3A_78 = arith.extui %sign3A_77 : i1 to i32
      %sign3A_79 = arith.constant 0 : i32
      %sign3A_80 = arith.cmpi slt, %jit3A_67, %sign3A_79 : i32
      %sign3A_81 = arith.extui %sign3A_80 : i1 to i32
      %sign3A_82 = arith.subi %sign3A_78, %sign3A_81 : i32
      %ne3A_83 = arith.cmpi ne, %sign3A_75, %sign3A_82 : i32
      %rem3A_84 = arith.remsi %select_n3A, %jit3A_67 : i32
      %ne3A_85 = arith.constant 0 : i32
      %ne3A_86 = arith.cmpi ne, %rem3A_84, %ne3A_85 : i32
      %and3A_87 = arith.andi %ne3A_83, %ne3A_86 : i1
      %sub3A_88 = arith.constant 1 : i32
      %sub3A_89 = arith.subi %div3A_68, %sub3A_88 : i32
      %select_n3A_90 = arith.select %and3A_87, %sub3A_89, %div3A_68 : i32
      %jit3A_91 = arith.constant 16 : i32
      %eq3A_92 = arith.constant 0 : i32
      %eq3A_93 = arith.cmpi eq, %jit3A_91, %eq3A_92 : i32
      %jit3A_94 = arith.constant 1 : i32
      %select_n3A_95 = arith.select %eq3A_93, %jit3A_94, %jit3A_91 : i32
      %rem3A_96 = arith.remsi %select_n3A, %select_n3A_95 : i32
      %ne3A_97 = arith.constant 0 : i32
      %ne3A_98 = arith.cmpi ne, %rem3A_96, %ne3A_97 : i32
      %lt3A_99 = arith.constant 0 : i32
      %lt3A_100 = arith.cmpi slt, %rem3A_96, %lt3A_99 : i32
      %lt3A_101 = arith.constant 0 : i32
      %lt3A_102 = arith.cmpi slt, %select_n3A_95, %lt3A_101 : i32
      %ne3A_103 = arith.xori %lt3A_100, %lt3A_102 : i1
      %and3A_104 = arith.andi %ne3A_103, %ne3A_98 : i1
      %add3A_105 = arith.addi %rem3A_96, %select_n3A_95 : i32
      %select_n3A_106 = arith.select %and3A_104, %add3A_105, %rem3A_96 : i32
      %mul3A_107 = arith.constant 128 : i32
      %mul3A_108 = arith.muli %select_n3A_66, %mul3A_107 : i32
      %mul3A_109 = arith.constant 128 : i32
      %mul3A_110 = arith.muli %select_n3A_66, %mul3A_109 : i32
      %dma_wait3A = arith.constant 0 : i32
      %dma_wait3A_111 = arith.constant 0 : i32
      %dma_wait3A_112 = tpu.memref_slice %arg6[%select_n3A_90, %dma_wait3A, %dma_wait3A_111] : memref<10x16x512xf32, #tpu.memory_space<vmem>> -> memref<1x16x512xf32, #tpu.memory_space<vmem>>
      %dma_wait3A_113 = tpu.memref_squeeze %dma_wait3A_112 : memref<1x16x512xf32, #tpu.memory_space<vmem>> -> memref<16x512xf32, #tpu.memory_space<vmem>>
      %dma_wait3A_114 = arith.constant 0 : i32
      %dma_wait3A_115 = tpu.memref_slice %dma_wait3A_113[%select_n3A_106, %dma_wait3A_114] : memref<16x512xf32, #tpu.memory_space<vmem>> -> memref<1x512xf32, #tpu.memory_space<vmem>>
      %dma_wait3A_116 = tpu.memref_squeeze %dma_wait3A_115 : memref<1x512xf32, #tpu.memory_space<vmem>> -> memref<512xf32, #tpu.memory_space<vmem>>
      %dma_wait3A_117 = tpu.memref_slice %dma_wait3A_116[%mul3A_110] : memref<512xf32, #tpu.memory_space<vmem>> -> memref<128xf32, #tpu.memory_space<vmem>>
      %dma_wait3A_118 = arith.constant 0 : i32
      %dma_wait3A_119 = tpu.memref_slice %arg5[%select_n3A_90, %dma_wait3A_118] : memref<10x512xi32, #tpu.memory_space<vmem>> -> memref<1x512xi32, #tpu.memory_space<vmem>>
      %dma_wait3A_120 = tpu.memref_squeeze %dma_wait3A_119 : memref<1x512xi32, #tpu.memory_space<vmem>> -> memref<512xi32, #tpu.memory_space<vmem>>
      %dma_wait3A_121 = tpu.memref_slice %dma_wait3A_120[%mul3A_108] : memref<512xi32, #tpu.memory_space<vmem>> -> memref<128xi32, #tpu.memory_space<vmem>>
      %dma_wait3A_122 = arith.constant 0 : i32
      %dma_wait3A_123 = arith.constant 0 : i32
      %dma_wait3A_124 = tpu.memref_slice %arg3[%select_n3A_90, %dma_wait3A_122, %dma_wait3A_123] : memref<10x16x100352xf32, #tpu.memory_space<hbm>> -> memref<1x16x100352xf32, #tpu.memory_space<hbm>>
      %dma_wait3A_125 = tpu.memref_squeeze %dma_wait3A_124 : memref<1x16x100352xf32, #tpu.memory_space<hbm>> -> memref<16x100352xf32, #tpu.memory_space<hbm>>
      %dma_wait3A_126 = arith.constant 0 : i32
      %dma_wait3A_127 = tpu.memref_slice %dma_wait3A_125[%select_n3A_106, %dma_wait3A_126] : memref<16x100352xf32, #tpu.memory_space<hbm>> -> memref<1x100352xf32, #tpu.memory_space<hbm>>
      %dma_wait3A_128 = tpu.memref_squeeze %dma_wait3A_127 : memref<1x100352xf32, #tpu.memory_space<hbm>> -> memref<100352xf32, #tpu.memory_space<hbm>>
      %dma_wait3A_129 = arith.constant 0 : i32
      %dma_wait3A_130 = tpu.memref_slice %dma_wait3A_128[%dma_wait3A_129] : memref<100352xf32, #tpu.memory_space<hbm>> -> memref<100352xf32, #tpu.memory_space<hbm>>
      tpu.wait_indirect_dma semaphore(%arg7 : memref<!tpu.dma_semaphore, #tpu.memory_space<semaphore_mem>>) src(%dma_wait3A_130 : memref<100352xf32, #tpu.memory_space<hbm>>) dst(%dma_wait3A_117 : memref<128xf32, #tpu.memory_space<vmem>>)
      %scan3A_131 = arith.constant 0 : i32
      scf.yield %scan3A_131 : i32
    }
    %scan3A_34 = arith.constant 48 : i32
    "tpu.region"() ({
      %run_scoped3A_35 = tpu.sem_alloc : memref<!tpu.dma_semaphore, #tpu.memory_space<semaphore_mem>>
      %dma_start3A = arith.constant 0 : i32
      %dma_start3A_36 = arith.constant 0 : i32
      %dma_start3A_37 = tpu.memref_slice %arg4[%dma_start3A, %dma_start3A_36, %mul3A_2] : memref<10x16x16384xf32, #tpu.memory_space<hbm>> -> memref<10x16x512xf32, #tpu.memory_space<hbm>>
      %dma_start3A_38 = arith.constant 0 : i32
      %dma_start3A_39 = arith.constant 0 : i32
      %dma_start3A_40 = tpu.memref_slice %arg4[%dma_start3A_38, %dma_start3A_39, %mul3A_2] : memref<10x16x16384xf32, #tpu.memory_space<hbm>> -> memref<10x16x512xf32, #tpu.memory_space<hbm>>
      tpu.enqueue_dma source(%arg6 : memref<10x16x512xf32, #tpu.memory_space<vmem>>) target(%dma_start3A_40 : memref<10x16x512xf32, #tpu.memory_space<hbm>>) target_semaphore(%run_scoped3A_35 : memref<!tpu.dma_semaphore, #tpu.memory_space<semaphore_mem>>)
      %dma_wait3A = arith.constant 0 : i32
      %dma_wait3A_41 = arith.constant 0 : i32
      %dma_wait3A_42 = tpu.memref_slice %arg4[%dma_wait3A, %dma_wait3A_41, %mul3A_2] : memref<10x16x16384xf32, #tpu.memory_space<hbm>> -> memref<10x16x512xf32, #tpu.memory_space<hbm>>
      %dma_wait3A_43 = arith.constant 0 : i32
      %dma_wait3A_44 = arith.constant 0 : i32
      %dma_wait3A_45 = tpu.memref_slice %arg4[%dma_wait3A_43, %dma_wait3A_44, %mul3A_2] : memref<10x16x16384xf32, #tpu.memory_space<hbm>> -> memref<10x16x512xf32, #tpu.memory_space<hbm>>
      tpu.wait_dma2 semaphore(%run_scoped3A_35 : memref<!tpu.dma_semaphore, #tpu.memory_space<semaphore_mem>>) src(%arg6 : memref<10x16x512xf32, #tpu.memory_space<vmem>>) dst(%dma_wait3A_45 : memref<10x16x512xf32, #tpu.memory_space<hbm>>)
      tpu.yield
    }) : () -> ()
    return
  }
}

module attributes {stable_mosaic.version = 14 : i64} {
  func.func @_fold_body(%arg0: memref<32x576xf32, #tpu.memory_space<vmem>>, %arg1: memref<1x32xf32, #tpu.memory_space<vmem>>, %arg2: memref<32x32xf32, #tpu.memory_space<vmem>>, %arg3: memref<1x32xf32, #tpu.memory_space<vmem>>, %arg4: memref<1x32xf32, #tpu.memory_space<vmem>>, %arg5: memref<1x32xf32, #tpu.memory_space<vmem>>, %arg6: memref<1x32xf32, #tpu.memory_space<vmem>>, %arg7: memref<1x32xf32, #tpu.memory_space<vmem>>, %arg8: memref<1x32xf32, #tpu.memory_space<vmem>>, %arg9: memref<1x32xf32, #tpu.memory_space<vmem>>, %arg10: memref<1x32xf32, #tpu.memory_space<vmem>>, %arg11: memref<1x32xf32, #tpu.memory_space<vmem>>, %arg12: memref<1x576xf32, #tpu.memory_space<vmem>>, %arg13: memref<1x1xf32, #tpu.memory_space<vmem>>) attributes {dimension_semantics = [], scalar_prefetch = 0 : i64, scratch_operands = 0 : i64, tpu.core_type = #tpu.core_type<tc>} {
    %get3A = arith.constant 0 : index
    %get3A_0 = arith.constant 0 : index
    %get3A_1 = vector.load %arg4[%get3A, %get3A_0] : memref<1x32xf32, #tpu.memory_space<vmem>>, vector<1x32xf32>
    %get3A_2 = arith.constant 0 : index
    %get3A_3 = arith.constant 0 : index
    %get3A_4 = vector.load %arg7[%get3A_2, %get3A_3] : memref<1x32xf32, #tpu.memory_space<vmem>>, vector<1x32xf32>
    %add3A = arith.constant 9.99999974E-6 : f32
    %add3A_5 = vector.broadcast %add3A : f32 to vector<1x32xf32>
    %add3A_6 = arith.addf %get3A_4, %add3A_5 : vector<1x32xf32>
    %rsqrt3A = math.rsqrt %add3A_6 : vector<1x32xf32>
    %mul3A = arith.mulf %get3A_1, %rsqrt3A : vector<1x32xf32>
    %get3A_7 = arith.constant 0 : index
    %get3A_8 = arith.constant 0 : index
    %get3A_9 = vector.load %arg8[%get3A_7, %get3A_8] : memref<1x32xf32, #tpu.memory_space<vmem>>, vector<1x32xf32>
    %get3A_10 = arith.constant 0 : index
    %get3A_11 = arith.constant 0 : index
    %get3A_12 = vector.load %arg11[%get3A_10, %get3A_11] : memref<1x32xf32, #tpu.memory_space<vmem>>, vector<1x32xf32>
    %add3A_13 = arith.constant 9.99999974E-6 : f32
    %add3A_14 = vector.broadcast %add3A_13 : f32 to vector<1x32xf32>
    %add3A_15 = arith.addf %get3A_12, %add3A_14 : vector<1x32xf32>
    %rsqrt3A_16 = math.rsqrt %add3A_15 : vector<1x32xf32>
    %mul3A_17 = arith.mulf %get3A_9, %rsqrt3A_16 : vector<1x32xf32>
    %get3A_18 = arith.constant 0 : index
    %get3A_19 = arith.constant 0 : index
    %get3A_20 = vector.load %arg2[%get3A_18, %get3A_19] : memref<32x32xf32, #tpu.memory_space<vmem>>, vector<32x32xf32>
    %dot_general3A = arith.constant dense<0.000000e+00> : vector<1x32xf32>
    %dot_general3A_21 = tpu.matmul %mul3A_17, %get3A_20, %dot_general3A {dimension_numbers = #tpu.dot_dimension_numbers<[1], [0], [0], [1], [0, 0, 1, 1], [], []>, precision = #tpu.contract_precision<fp32>, transpose_lhs_hint = false} : vector<1x32xf32>, vector<32x32xf32>, vector<1x32xf32> -> vector<1x32xf32>
    %mul3A_22 = arith.mulf %dot_general3A_21, %mul3A : vector<1x32xf32>
    %get3A_23 = arith.constant 0 : index
    %get3A_24 = arith.constant 0 : index
    %get3A_25 = vector.load %arg0[%get3A_23, %get3A_24] : memref<32x576xf32, #tpu.memory_space<vmem>>, vector<32x576xf32>
    %dot_general3A_26 = arith.constant dense<0.000000e+00> : vector<1x576xf32>
    %dot_general3A_27 = tpu.matmul %mul3A_22, %get3A_25, %dot_general3A_26 {dimension_numbers = #tpu.dot_dimension_numbers<[1], [0], [0], [1], [0, 0, 1, 1], [], []>, precision = #tpu.contract_precision<fp32>, transpose_lhs_hint = false} : vector<1x32xf32>, vector<32x576xf32>, vector<1x576xf32> -> vector<1x576xf32>
    %add3A_28 = arith.constant 1.000000e+00 : f32
    %add3A_29 = vector.broadcast %add3A_28 : f32 to vector<1x576xf32>
    %add3A_30 = arith.addf %dot_general3A_27, %add3A_29 : vector<1x576xf32>
    %swap3A = arith.constant 0 : index
    %swap3A_31 = arith.constant 0 : index
    %swap3A_32 = vector.load %arg12[%swap3A, %swap3A_31] : memref<1x576xf32, #tpu.memory_space<vmem>>, vector<1x576xf32>
    tpu.vector_store %arg12[%swap3A, %swap3A_31], %add3A_30 {strides = array<i32>} : memref<1x576xf32, #tpu.memory_space<vmem>>, vector<1x576xf32>,
    %get3A_33 = arith.constant 0 : index
    %get3A_34 = arith.constant 0 : index
    %get3A_35 = vector.load %arg1[%get3A_33, %get3A_34] : memref<1x32xf32, #tpu.memory_space<vmem>>, vector<1x32xf32>
    %mul3A_36 = arith.mulf %get3A_35, %mul3A_22 : vector<1x32xf32>
    %get3A_37 = arith.constant 0 : index
    %get3A_38 = arith.constant 0 : index
    %get3A_39 = vector.load %arg5[%get3A_37, %get3A_38] : memref<1x32xf32, #tpu.memory_space<vmem>>, vector<1x32xf32>
    %get3A_40 = arith.constant 0 : index
    %get3A_41 = arith.constant 0 : index
    %get3A_42 = vector.load %arg6[%get3A_40, %get3A_41] : memref<1x32xf32, #tpu.memory_space<vmem>>, vector<1x32xf32>
    %mul3A_43 = arith.mulf %mul3A, %get3A_42 : vector<1x32xf32>
    %sub3A = arith.subf %get3A_39, %mul3A_43 : vector<1x32xf32>
    %mul3A_44 = arith.mulf %dot_general3A_21, %sub3A : vector<1x32xf32>
    %add3A_45 = arith.addf %mul3A_36, %mul3A_44 : vector<1x32xf32>
    %get3A_46 = arith.constant 0 : index
    %get3A_47 = arith.constant 0 : index
    %get3A_48 = vector.load %arg3[%get3A_46, %get3A_47] : memref<1x32xf32, #tpu.memory_space<vmem>>, vector<1x32xf32>
    %mul3A_49 = arith.mulf %get3A_48, %mul3A_17 : vector<1x32xf32>
    %add3A_50 = arith.addf %add3A_45, %mul3A_49 : vector<1x32xf32>
    %get3A_51 = arith.constant 0 : index
    %get3A_52 = arith.constant 0 : index
    %get3A_53 = vector.load %arg9[%get3A_51, %get3A_52] : memref<1x32xf32, #tpu.memory_space<vmem>>, vector<1x32xf32>
    %get3A_54 = arith.constant 0 : index
    %get3A_55 = arith.constant 0 : index
    %get3A_56 = vector.load %arg10[%get3A_54, %get3A_55] : memref<1x32xf32, #tpu.memory_space<vmem>>, vector<1x32xf32>
    %mul3A_57 = arith.mulf %get3A_56, %mul3A_17 : vector<1x32xf32>
    %sub3A_58 = arith.subf %get3A_53, %mul3A_57 : vector<1x32xf32>
    %add3A_59 = arith.addf %add3A_50, %sub3A_58 : vector<1x32xf32>
    %reduce_sum3A = arith.constant dense<0.000000e+00> : vector<1xf32>
    %reduce_sum3A_60 = vector.multi_reduction <add>, %add3A_59, %reduce_sum3A [1] : vector<1x32xf32> to vector<1xf32>
    %broadcast_in_dim3A = vector.shape_cast %reduce_sum3A_60 : vector<1xf32> to vector<1x1xf32>
    %swap3A_61 = arith.constant 0 : index
    %swap3A_62 = arith.constant 0 : index
    %swap3A_63 = vector.load %arg13[%swap3A_61, %swap3A_62] : memref<1x1xf32, #tpu.memory_space<vmem>>, vector<1x1xf32>
    tpu.vector_store %arg13[%swap3A_61, %swap3A_62], %broadcast_in_dim3A {strides = array<i32>} : memref<1x1xf32, #tpu.memory_space<vmem>>, vector<1x1xf32>,
    return
  }
}

module attributes {stable_mosaic.version = 14 : i64} {
  func.func @_detile_body(%arg0: i32, %arg1: i32, %arg2: memref<1x16x50176xf32, #tpu.memory_space<vmem>>, %arg3: memref<1x16x392x128xf32, #tpu.memory_space<vmem>>) attributes {dimension_semantics = [#tpu.dimension_semantics<arbitrary>, #tpu.dimension_semantics<arbitrary>], iteration_bounds = array<i64: 10, 2>, scalar_prefetch = 0 : i64, scratch_operands = 0 : i64, tpu.core_type = #tpu.core_type<tc>, window_params = [{transform_indices = @transform_0, window_bounds = array<i64: 1, 16, 50176>}, {transform_indices = @transform_1, window_bounds = array<i64: 1, 16, 392, 128>}]} {
    %get3A = arith.constant 0 : index
    %get3A_0 = arith.constant 0 : index
    %get3A_1 = arith.constant 0 : index
    %get3A_2 = vector.load %arg2[%get3A, %get3A_0, %get3A_1] : memref<1x16x50176xf32, #tpu.memory_space<vmem>>, vector<1x16x50176xf32>
    %get3A_3 = vector.shape_cast %get3A_2 : vector<1x16x50176xf32> to vector<16x50176xf32>
    %reshape3A = vector.shape_cast %get3A_3 : vector<16x50176xf32> to vector<16x392x128xf32>
    %swap3A = arith.constant 0 : index
    %swap3A_4 = arith.constant 0 : index
    %swap3A_5 = arith.constant 0 : index
    %swap3A_6 = arith.constant 0 : index
    %swap3A_7 = vector.load %arg3[%swap3A, %swap3A_4, %swap3A_5, %swap3A_6] : memref<1x16x392x128xf32, #tpu.memory_space<vmem>>, vector<1x16x392x128xf32>
    %swap3A_8 = vector.shape_cast %swap3A_7 : vector<1x16x392x128xf32> to vector<16x392x128xf32>
    %swap3A_9 = vector.shape_cast %reshape3A : vector<16x392x128xf32> to vector<1x16x392x128xf32>
    tpu.vector_store %arg3[%swap3A, %swap3A_4, %swap3A_5, %swap3A_6], %swap3A_9 {strides = array<i32>} : memref<1x16x392x128xf32, #tpu.memory_space<vmem>>, vector<1x16x392x128xf32>,
    return
  }
  func.func @transform_0(%arg0: i32, %arg1: i32) -> (i32, i32, i32) {
    %c0_i32 = arith.constant 0 : i32
    %c0_i32_0 = arith.constant 0 : i32
    return %arg0, %c0_i32, %arg1 : i32, i32, i32
  }
  func.func @transform_1(%arg0: i32, %arg1: i32) -> (i32, i32, i32, i32) {
    %c0_i32 = arith.constant 0 : i32
    %c0_i32_0 = arith.constant 0 : i32
    %c0_i32_1 = arith.constant 0 : i32
    return %arg0, %c0_i32, %arg1, %c0_i32_0 : i32, i32, i32, i32
  }
}

module attributes {stable_mosaic.version = 14 : i64} {
  func.func @_tc_body(%arg0: i32, %arg1: memref<36x2048xi32, #tpu.memory_space<vmem>>, %arg2: memref<36x2048xf32, #tpu.memory_space<vmem>>, %arg3: memref<10x16x2048xf32, #tpu.memory_space<vmem>>, %arg4: memref<26x16xf32, #tpu.memory_space<vmem>>, %arg5: memref<26x16xf32, #tpu.memory_space<vmem>>, %arg6: memref<36x16xf32, #tpu.memory_space<vmem>>, %arg7: memref<1x1xf32, #tpu.memory_space<vmem>>, %arg8: memref<2048xf32, #tpu.memory_space<vmem>>, %arg9: memref<2048xf32, #tpu.memory_space<vmem>>) attributes {dimension_semantics = [#tpu.dimension_semantics<arbitrary>], iteration_bounds = array<i64: 8>, scalar_prefetch = 0 : i64, scratch_operands = 0 : i64, tpu.core_type = #tpu.core_type<tc>, window_params = [{transform_indices = @transform_0, window_bounds = array<i64: 36, 2048>}, {transform_indices = @transform_1, window_bounds = array<i64: 36, 2048>}, {transform_indices = @transform_2, window_bounds = array<i64: 10, 16, 2048>}, {pipeline_mode = #tpu.pipeline_mode<synchronous>, transform_indices = @transform_3, window_bounds = array<i64: 26, 16>}, {pipeline_mode = #tpu.pipeline_mode<synchronous>, transform_indices = @transform_4, window_bounds = array<i64: 26, 16>}, {pipeline_mode = #tpu.pipeline_mode<synchronous>, transform_indices = @transform_5, window_bounds = array<i64: 36, 16>}, {pipeline_mode = #tpu.pipeline_mode<synchronous>, transform_indices = @transform_6, window_bounds = array<i64: 1, 1>}, {transform_indices = @transform_7, window_bounds = array<i64: 2048>}, {transform_indices = @transform_8, window_bounds = array<i64: 2048>}]} {
    %get3A = arith.constant 0 : index
    %get3A_0 = arith.constant 0 : index
    %get3A_1 = vector.load %arg6[%get3A, %get3A_0] : memref<36x16xf32, #tpu.memory_space<vmem>>, vector<36x16xf32>
    %get3A_2 = arith.constant 0 : index
    %get3A_3 = arith.constant 0 : index
    %get3A_4 = vector.load %arg7[%get3A_2, %get3A_3] : memref<1x1xf32, #tpu.memory_space<vmem>>, vector<1x1xf32>
    %get3A_5 = vector.extract %get3A_4[0, 0] : f32 from vector<1x1xf32>
    %get3A_6 = arith.constant 0 : index
    %get3A_7 = arith.constant 0 : index
    %get3A_8 = vector.load %arg1[%get3A_6, %get3A_7] : memref<36x2048xi32, #tpu.memory_space<vmem>>, vector<36x2048xi32>
    %convert_element_type3A = arith.sitofp %get3A_8 : vector<36x2048xi32> to vector<36x2048xf32>
    %get3A_9 = arith.constant 0 : index
    %get3A_10 = arith.constant 0 : index
    %get3A_11 = vector.load %arg2[%get3A_9, %get3A_10] : memref<36x2048xf32, #tpu.memory_space<vmem>>, vector<36x2048xf32>
    %slice3A = vector.extract_strided_slice %convert_element_type3A {offsets = [0, 0], sizes = [26, 2048], strides = [1, 1]} : vector<36x2048xf32> to vector<26x2048xf32>
    %slice3A_12 = vector.extract_strided_slice %get3A_11 {offsets = [0, 0], sizes = [26, 2048], strides = [1, 1]} : vector<36x2048xf32> to vector<26x2048xf32>
    %mul3A = arith.mulf %slice3A, %slice3A_12 : vector<26x2048xf32>
    %get3A_13 = arith.constant 0 : index
    %get3A_14 = arith.constant 0 : index
    %get3A_15 = vector.load %arg4[%get3A_13, %get3A_14] : memref<26x16xf32, #tpu.memory_space<vmem>>, vector<26x16xf32>
    %get3A_16 = arith.constant 0 : index
    %get3A_17 = arith.constant 0 : index
    %get3A_18 = vector.load %arg5[%get3A_16, %get3A_17] : memref<26x16xf32, #tpu.memory_space<vmem>>, vector<26x16xf32>
    %slice3A_19 = vector.extract_strided_slice %get3A_1 {offsets = [0, 0], sizes = [26, 16], strides = [1, 1]} : vector<36x16xf32> to vector<26x16xf32>
    %dot_general3A = arith.constant dense<0.000000e+00> : vector<16x2048xf32>
    %dot_general3A_20 = tpu.matmul %get3A_15, %mul3A, %dot_general3A {dimension_numbers = #tpu.dot_dimension_numbers<[0], [0], [1], [1], [0, 1, 1, 1], [], []>, precision = #tpu.contract_precision<fp32>, transpose_lhs_hint = false} : vector<26x16xf32>, vector<26x2048xf32>, vector<16x2048xf32> -> vector<16x2048xf32>
    %dot_general3A_21 = arith.constant dense<0.000000e+00> : vector<16x2048xf32>
    %dot_general3A_22 = tpu.matmul %get3A_18, %slice3A_12, %dot_general3A_21 {dimension_numbers = #tpu.dot_dimension_numbers<[0], [0], [1], [1], [0, 1, 1, 1], [], []>, precision = #tpu.contract_precision<fp32>, transpose_lhs_hint = false} : vector<26x16xf32>, vector<26x2048xf32>, vector<16x2048xf32> -> vector<16x2048xf32>
    %add3A = arith.addf %dot_general3A_20, %dot_general3A_22 : vector<16x2048xf32>
    %mul3A_23 = arith.mulf %get3A_15, %slice3A_19 : vector<26x16xf32>
    %reduce_sum3A = arith.constant dense<0.000000e+00> : vector<26xf32>
    %reduce_sum3A_24 = vector.multi_reduction <add>, %mul3A_23, %reduce_sum3A [1] : vector<26x16xf32> to vector<26xf32>
    %broadcast_in_dim3A = vector.shape_cast %reduce_sum3A_24 : vector<26xf32> to vector<26x1xf32>
    %mul3A_25 = arith.mulf %get3A_18, %slice3A_19 : vector<26x16xf32>
    %reduce_sum3A_26 = arith.constant dense<0.000000e+00> : vector<26xf32>
    %reduce_sum3A_27 = vector.multi_reduction <add>, %mul3A_25, %reduce_sum3A_26 [1] : vector<26x16xf32> to vector<26xf32>
    %broadcast_in_dim3A_28 = vector.shape_cast %reduce_sum3A_27 : vector<26xf32> to vector<26x1xf32>
    %dot_general3A_29 = arith.constant dense<0.000000e+00> : vector<1x2048xf32>
    %dot_general3A_30 = tpu.matmul %broadcast_in_dim3A, %mul3A, %dot_general3A_29 {dimension_numbers = #tpu.dot_dimension_numbers<[0], [0], [1], [1], [0, 1, 1, 1], [], []>, precision = #tpu.contract_precision<fp32>, transpose_lhs_hint = false} : vector<26x1xf32>, vector<26x2048xf32>, vector<1x2048xf32> -> vector<1x2048xf32>
    %dot_general3A_31 = arith.constant dense<0.000000e+00> : vector<1x2048xf32>
    %dot_general3A_32 = tpu.matmul %broadcast_in_dim3A_28, %slice3A_12, %dot_general3A_31 {dimension_numbers = #tpu.dot_dimension_numbers<[0], [0], [1], [1], [0, 1, 1, 1], [], []>, precision = #tpu.contract_precision<fp32>, transpose_lhs_hint = false} : vector<26x1xf32>, vector<26x2048xf32>, vector<1x2048xf32> -> vector<1x2048xf32>
    %add3A_33 = arith.addf %dot_general3A_30, %dot_general3A_32 : vector<1x2048xf32>
    %mul3A_34 = arith.mulf %get3A_15, %get3A_15 : vector<26x16xf32>
    %reduce_sum3A_35 = arith.constant dense<0.000000e+00> : vector<26xf32>
    %reduce_sum3A_36 = vector.multi_reduction <add>, %mul3A_34, %reduce_sum3A_35 [1] : vector<26x16xf32> to vector<26xf32>
    %broadcast_in_dim3A_37 = vector.shape_cast %reduce_sum3A_36 : vector<26xf32> to vector<26x1xf32>
    %mul3A_38 = arith.mulf %get3A_15, %get3A_18 : vector<26x16xf32>
    %reduce_sum3A_39 = arith.constant dense<0.000000e+00> : vector<26xf32>
    %reduce_sum3A_40 = vector.multi_reduction <add>, %mul3A_38, %reduce_sum3A_39 [1] : vector<26x16xf32> to vector<26xf32>
    %broadcast_in_dim3A_41 = vector.shape_cast %reduce_sum3A_40 : vector<26xf32> to vector<26x1xf32>
    %mul3A_42 = arith.mulf %get3A_18, %get3A_18 : vector<26x16xf32>
    %reduce_sum3A_43 = arith.constant dense<0.000000e+00> : vector<26xf32>
    %reduce_sum3A_44 = vector.multi_reduction <add>, %mul3A_42, %reduce_sum3A_43 [1] : vector<26x16xf32> to vector<26xf32>
    %broadcast_in_dim3A_45 = vector.shape_cast %reduce_sum3A_44 : vector<26xf32> to vector<26x1xf32>
    %mul3A_46 = arith.mulf %mul3A, %mul3A : vector<26x2048xf32>
    %dot_general3A_47 = arith.constant dense<0.000000e+00> : vector<1x2048xf32>
    %dot_general3A_48 = tpu.matmul %broadcast_in_dim3A_37, %mul3A_46, %dot_general3A_47 {dimension_numbers = #tpu.dot_dimension_numbers<[0], [0], [1], [1], [0, 1, 1, 1], [], []>, precision = #tpu.contract_precision<fp32>, transpose_lhs_hint = false} : vector<26x1xf32>, vector<26x2048xf32>, vector<1x2048xf32> -> vector<1x2048xf32>
    %mul3A_49 = arith.mulf %mul3A, %slice3A_12 : vector<26x2048xf32>
    %dot_general3A_50 = arith.constant dense<0.000000e+00> : vector<1x2048xf32>
    %dot_general3A_51 = tpu.matmul %broadcast_in_dim3A_41, %mul3A_49, %dot_general3A_50 {dimension_numbers = #tpu.dot_dimension_numbers<[0], [0], [1], [1], [0, 1, 1, 1], [], []>, precision = #tpu.contract_precision<fp32>, transpose_lhs_hint = false} : vector<26x1xf32>, vector<26x2048xf32>, vector<1x2048xf32> -> vector<1x2048xf32>
    %mul3A_52 = arith.constant 2.000000e+00 : f32
    %mul3A_53 = vector.broadcast %mul3A_52 : f32 to vector<1x2048xf32>
    %mul3A_54 = arith.mulf %mul3A_53, %dot_general3A_51 : vector<1x2048xf32>
    %add3A_55 = arith.addf %dot_general3A_48, %mul3A_54 : vector<1x2048xf32>
    %mul3A_56 = arith.mulf %slice3A_12, %slice3A_12 : vector<26x2048xf32>
    %dot_general3A_57 = arith.constant dense<0.000000e+00> : vector<1x2048xf32>
    %dot_general3A_58 = tpu.matmul %broadcast_in_dim3A_45, %mul3A_56, %dot_general3A_57 {dimension_numbers = #tpu.dot_dimension_numbers<[0], [0], [1], [1], [0, 1, 1, 1], [], []>, precision = #tpu.contract_precision<fp32>, transpose_lhs_hint = false} : vector<26x1xf32>, vector<26x2048xf32>, vector<1x2048xf32> -> vector<1x2048xf32>
    %add3A_59 = arith.addf %add3A_55, %dot_general3A_58 : vector<1x2048xf32>
    %get3A_60 = arith.constant 0 : index
    %get3A_61 = arith.constant 0 : index
    %get3A_62 = arith.constant 0 : index
    %get3A_63 = vector.load %arg3[%get3A_60, %get3A_61, %get3A_62] : memref<10x16x2048xf32, #tpu.memory_space<vmem>>, vector<1x16x2048xf32>
    %get3A_64 = vector.shape_cast %get3A_63 : vector<1x16x2048xf32> to vector<16x2048xf32>
    %slice3A_65 = vector.extract_strided_slice %get3A_11 {offsets = [26, 0], sizes = [1, 2048], strides = [1, 1]} : vector<36x2048xf32> to vector<1x2048xf32>
    %squeeze3A = vector.shape_cast %slice3A_65 : vector<1x2048xf32> to vector<2048xf32>
    %broadcast_in_dim3A_66 = vector.shape_cast %squeeze3A : vector<2048xf32> to vector<1x2048xf32>
    %mul3A_67 = vector.broadcast %broadcast_in_dim3A_66 : vector<1x2048xf32> to vector<16x2048xf32>
    %mul3A_68 = arith.mulf %get3A_64, %mul3A_67 : vector<16x2048xf32>
    %add3A_69 = arith.addf %add3A, %mul3A_68 : vector<16x2048xf32>
    %slice3A_70 = vector.extract_strided_slice %get3A_1 {offsets = [26, 0], sizes = [1, 16], strides = [1, 1]} : vector<36x16xf32> to vector<1x16xf32>
    %squeeze3A_71 = vector.shape_cast %slice3A_70 : vector<1x16xf32> to vector<16xf32>
    %broadcast_in_dim3A_72 = vector.shape_cast %squeeze3A_71 : vector<16xf32> to vector<16x1xf32>
    %dot_general3A_73 = arith.constant dense<0.000000e+00> : vector<1x2048xf32>
    %dot_general3A_74 = tpu.matmul %broadcast_in_dim3A_72, %mul3A_68, %dot_general3A_73 {dimension_numbers = #tpu.dot_dimension_numbers<[0], [0], [1], [1], [0, 1, 1, 1], [], []>, precision = #tpu.contract_precision<fp32>, transpose_lhs_hint = false} : vector<16x1xf32>, vector<16x2048xf32>, vector<1x2048xf32> -> vector<1x2048xf32>
    %add3A_75 = arith.addf %add3A_33, %dot_general3A_74 : vector<1x2048xf32>
    %mul3A_76 = arith.mulf %mul3A_68, %mul3A_68 : vector<16x2048xf32>
    %reduce_sum3A_77 = arith.constant dense<0.000000e+00> : vector<2048xf32>
    %reduce_sum3A_78 = vector.multi_reduction <add>, %mul3A_76, %reduce_sum3A_77 [0] : vector<16x2048xf32> to vector<2048xf32>
    %broadcast_in_dim3A_79 = vector.shape_cast %reduce_sum3A_78 : vector<2048xf32> to vector<1x2048xf32>
    %add3A_80 = arith.addf %add3A_59, %broadcast_in_dim3A_79 : vector<1x2048xf32>
    %get3A_81 = arith.constant 1 : index
    %get3A_82 = arith.constant 0 : index
    %get3A_83 = arith.constant 0 : index
    %get3A_84 = vector.load %arg3[%get3A_81, %get3A_82, %get3A_83] : memref<10x16x2048xf32, #tpu.memory_space<vmem>>, vector<1x16x2048xf32>
    %get3A_85 = vector.shape_cast %get3A_84 : vector<1x16x2048xf32> to vector<16x2048xf32>
    %slice3A_86 = vector.extract_strided_slice %get3A_11 {offsets = [27, 0], sizes = [1, 2048], strides = [1, 1]} : vector<36x2048xf32> to vector<1x2048xf32>
    %squeeze3A_87 = vector.shape_cast %slice3A_86 : vector<1x2048xf32> to vector<2048xf32>
    %broadcast_in_dim3A_88 = vector.shape_cast %squeeze3A_87 : vector<2048xf32> to vector<1x2048xf32>
    %mul3A_89 = vector.broadcast %broadcast_in_dim3A_88 : vector<1x2048xf32> to vector<16x2048xf32>
    %mul3A_90 = arith.mulf %get3A_85, %mul3A_89 : vector<16x2048xf32>
    %add3A_91 = arith.addf %add3A_69, %mul3A_90 : vector<16x2048xf32>
    %slice3A_92 = vector.extract_strided_slice %get3A_1 {offsets = [27, 0], sizes = [1, 16], strides = [1, 1]} : vector<36x16xf32> to vector<1x16xf32>
    %squeeze3A_93 = vector.shape_cast %slice3A_92 : vector<1x16xf32> to vector<16xf32>
    %broadcast_in_dim3A_94 = vector.shape_cast %squeeze3A_93 : vector<16xf32> to vector<16x1xf32>
    %dot_general3A_95 = arith.constant dense<0.000000e+00> : vector<1x2048xf32>
    %dot_general3A_96 = tpu.matmul %broadcast_in_dim3A_94, %mul3A_90, %dot_general3A_95 {dimension_numbers = #tpu.dot_dimension_numbers<[0], [0], [1], [1], [0, 1, 1, 1], [], []>, precision = #tpu.contract_precision<fp32>, transpose_lhs_hint = false} : vector<16x1xf32>, vector<16x2048xf32>, vector<1x2048xf32> -> vector<1x2048xf32>
    %add3A_97 = arith.addf %add3A_75, %dot_general3A_96 : vector<1x2048xf32>
    %mul3A_98 = arith.mulf %mul3A_90, %mul3A_90 : vector<16x2048xf32>
    %reduce_sum3A_99 = arith.constant dense<0.000000e+00> : vector<2048xf32>
    %reduce_sum3A_100 = vector.multi_reduction <add>, %mul3A_98, %reduce_sum3A_99 [0] : vector<16x2048xf32> to vector<2048xf32>
    %broadcast_in_dim3A_101 = vector.shape_cast %reduce_sum3A_100 : vector<2048xf32> to vector<1x2048xf32>
    %add3A_102 = arith.addf %add3A_80, %broadcast_in_dim3A_101 : vector<1x2048xf32>
    %get3A_103 = arith.constant 2 : index
    %get3A_104 = arith.constant 0 : index
    %get3A_105 = arith.constant 0 : index
    %get3A_106 = vector.load %arg3[%get3A_103, %get3A_104, %get3A_105] : memref<10x16x2048xf32, #tpu.memory_space<vmem>>, vector<1x16x2048xf32>
    %get3A_107 = vector.shape_cast %get3A_106 : vector<1x16x2048xf32> to vector<16x2048xf32>
    %slice3A_108 = vector.extract_strided_slice %get3A_11 {offsets = [28, 0], sizes = [1, 2048], strides = [1, 1]} : vector<36x2048xf32> to vector<1x2048xf32>
    %squeeze3A_109 = vector.shape_cast %slice3A_108 : vector<1x2048xf32> to vector<2048xf32>
    %broadcast_in_dim3A_110 = vector.shape_cast %squeeze3A_109 : vector<2048xf32> to vector<1x2048xf32>
    %mul3A_111 = vector.broadcast %broadcast_in_dim3A_110 : vector<1x2048xf32> to vector<16x2048xf32>
    %mul3A_112 = arith.mulf %get3A_107, %mul3A_111 : vector<16x2048xf32>
    %add3A_113 = arith.addf %add3A_91, %mul3A_112 : vector<16x2048xf32>
    %slice3A_114 = vector.extract_strided_slice %get3A_1 {offsets = [28, 0], sizes = [1, 16], strides = [1, 1]} : vector<36x16xf32> to vector<1x16xf32>
    %squeeze3A_115 = vector.shape_cast %slice3A_114 : vector<1x16xf32> to vector<16xf32>
    %broadcast_in_dim3A_116 = vector.shape_cast %squeeze3A_115 : vector<16xf32> to vector<16x1xf32>
    %dot_general3A_117 = arith.constant dense<0.000000e+00> : vector<1x2048xf32>
    %dot_general3A_118 = tpu.matmul %broadcast_in_dim3A_116, %mul3A_112, %dot_general3A_117 {dimension_numbers = #tpu.dot_dimension_numbers<[0], [0], [1], [1], [0, 1, 1, 1], [], []>, precision = #tpu.contract_precision<fp32>, transpose_lhs_hint = false} : vector<16x1xf32>, vector<16x2048xf32>, vector<1x2048xf32> -> vector<1x2048xf32>
    %add3A_119 = arith.addf %add3A_97, %dot_general3A_118 : vector<1x2048xf32>
    %mul3A_120 = arith.mulf %mul3A_112, %mul3A_112 : vector<16x2048xf32>
    %reduce_sum3A_121 = arith.constant dense<0.000000e+00> : vector<2048xf32>
    %reduce_sum3A_122 = vector.multi_reduction <add>, %mul3A_120, %reduce_sum3A_121 [0] : vector<16x2048xf32> to vector<2048xf32>
    %broadcast_in_dim3A_123 = vector.shape_cast %reduce_sum3A_122 : vector<2048xf32> to vector<1x2048xf32>
    %add3A_124 = arith.addf %add3A_102, %broadcast_in_dim3A_123 : vector<1x2048xf32>
    %get3A_125 = arith.constant 3 : index
    %get3A_126 = arith.constant 0 : index
    %get3A_127 = arith.constant 0 : index
    %get3A_128 = vector.load %arg3[%get3A_125, %get3A_126, %get3A_127] : memref<10x16x2048xf32, #tpu.memory_space<vmem>>, vector<1x16x2048xf32>
    %get3A_129 = vector.shape_cast %get3A_128 : vector<1x16x2048xf32> to vector<16x2048xf32>
    %slice3A_130 = vector.extract_strided_slice %get3A_11 {offsets = [29, 0], sizes = [1, 2048], strides = [1, 1]} : vector<36x2048xf32> to vector<1x2048xf32>
    %squeeze3A_131 = vector.shape_cast %slice3A_130 : vector<1x2048xf32> to vector<2048xf32>
    %broadcast_in_dim3A_132 = vector.shape_cast %squeeze3A_131 : vector<2048xf32> to vector<1x2048xf32>
    %mul3A_133 = vector.broadcast %broadcast_in_dim3A_132 : vector<1x2048xf32> to vector<16x2048xf32>
    %mul3A_134 = arith.mulf %get3A_129, %mul3A_133 : vector<16x2048xf32>
    %add3A_135 = arith.addf %add3A_113, %mul3A_134 : vector<16x2048xf32>
    %slice3A_136 = vector.extract_strided_slice %get3A_1 {offsets = [29, 0], sizes = [1, 16], strides = [1, 1]} : vector<36x16xf32> to vector<1x16xf32>
    %squeeze3A_137 = vector.shape_cast %slice3A_136 : vector<1x16xf32> to vector<16xf32>
    %broadcast_in_dim3A_138 = vector.shape_cast %squeeze3A_137 : vector<16xf32> to vector<16x1xf32>
    %dot_general3A_139 = arith.constant dense<0.000000e+00> : vector<1x2048xf32>
    %dot_general3A_140 = tpu.matmul %broadcast_in_dim3A_138, %mul3A_134, %dot_general3A_139 {dimension_numbers = #tpu.dot_dimension_numbers<[0], [0], [1], [1], [0, 1, 1, 1], [], []>, precision = #tpu.contract_precision<fp32>, transpose_lhs_hint = false} : vector<16x1xf32>, vector<16x2048xf32>, vector<1x2048xf32> -> vector<1x2048xf32>
    %add3A_141 = arith.addf %add3A_119, %dot_general3A_140 : vector<1x2048xf32>
    %mul3A_142 = arith.mulf %mul3A_134, %mul3A_134 : vector<16x2048xf32>
    %reduce_sum3A_143 = arith.constant dense<0.000000e+00> : vector<2048xf32>
    %reduce_sum3A_144 = vector.multi_reduction <add>, %mul3A_142, %reduce_sum3A_143 [0] : vector<16x2048xf32> to vector<2048xf32>
    %broadcast_in_dim3A_145 = vector.shape_cast %reduce_sum3A_144 : vector<2048xf32> to vector<1x2048xf32>
    %add3A_146 = arith.addf %add3A_124, %broadcast_in_dim3A_145 : vector<1x2048xf32>
    %get3A_147 = arith.constant 4 : index
    %get3A_148 = arith.constant 0 : index
    %get3A_149 = arith.constant 0 : index
    %get3A_150 = vector.load %arg3[%get3A_147, %get3A_148, %get3A_149] : memref<10x16x2048xf32, #tpu.memory_space<vmem>>, vector<1x16x2048xf32>
    %get3A_151 = vector.shape_cast %get3A_150 : vector<1x16x2048xf32> to vector<16x2048xf32>
    %slice3A_152 = vector.extract_strided_slice %get3A_11 {offsets = [30, 0], sizes = [1, 2048], strides = [1, 1]} : vector<36x2048xf32> to vector<1x2048xf32>
    %squeeze3A_153 = vector.shape_cast %slice3A_152 : vector<1x2048xf32> to vector<2048xf32>
    %broadcast_in_dim3A_154 = vector.shape_cast %squeeze3A_153 : vector<2048xf32> to vector<1x2048xf32>
    %mul3A_155 = vector.broadcast %broadcast_in_dim3A_154 : vector<1x2048xf32> to vector<16x2048xf32>
    %mul3A_156 = arith.mulf %get3A_151, %mul3A_155 : vector<16x2048xf32>
    %add3A_157 = arith.addf %add3A_135, %mul3A_156 : vector<16x2048xf32>
    %slice3A_158 = vector.extract_strided_slice %get3A_1 {offsets = [30, 0], sizes = [1, 16], strides = [1, 1]} : vector<36x16xf32> to vector<1x16xf32>
    %squeeze3A_159 = vector.shape_cast %slice3A_158 : vector<1x16xf32> to vector<16xf32>
    %broadcast_in_dim3A_160 = vector.shape_cast %squeeze3A_159 : vector<16xf32> to vector<16x1xf32>
    %dot_general3A_161 = arith.constant dense<0.000000e+00> : vector<1x2048xf32>
    %dot_general3A_162 = tpu.matmul %broadcast_in_dim3A_160, %mul3A_156, %dot_general3A_161 {dimension_numbers = #tpu.dot_dimension_numbers<[0], [0], [1], [1], [0, 1, 1, 1], [], []>, precision = #tpu.contract_precision<fp32>, transpose_lhs_hint = false} : vector<16x1xf32>, vector<16x2048xf32>, vector<1x2048xf32> -> vector<1x2048xf32>
    %add3A_163 = arith.addf %add3A_141, %dot_general3A_162 : vector<1x2048xf32>
    %mul3A_164 = arith.mulf %mul3A_156, %mul3A_156 : vector<16x2048xf32>
    %reduce_sum3A_165 = arith.constant dense<0.000000e+00> : vector<2048xf32>
    %reduce_sum3A_166 = vector.multi_reduction <add>, %mul3A_164, %reduce_sum3A_165 [0] : vector<16x2048xf32> to vector<2048xf32>
    %broadcast_in_dim3A_167 = vector.shape_cast %reduce_sum3A_166 : vector<2048xf32> to vector<1x2048xf32>
    %add3A_168 = arith.addf %add3A_146, %broadcast_in_dim3A_167 : vector<1x2048xf32>
    %get3A_169 = arith.constant 5 : index
    %get3A_170 = arith.constant 0 : index
    %get3A_171 = arith.constant 0 : index
    %get3A_172 = vector.load %arg3[%get3A_169, %get3A_170, %get3A_171] : memref<10x16x2048xf32, #tpu.memory_space<vmem>>, vector<1x16x2048xf32>
    %get3A_173 = vector.shape_cast %get3A_172 : vector<1x16x2048xf32> to vector<16x2048xf32>
    %slice3A_174 = vector.extract_strided_slice %get3A_11 {offsets = [31, 0], sizes = [1, 2048], strides = [1, 1]} : vector<36x2048xf32> to vector<1x2048xf32>
    %squeeze3A_175 = vector.shape_cast %slice3A_174 : vector<1x2048xf32> to vector<2048xf32>
    %broadcast_in_dim3A_176 = vector.shape_cast %squeeze3A_175 : vector<2048xf32> to vector<1x2048xf32>
    %mul3A_177 = vector.broadcast %broadcast_in_dim3A_176 : vector<1x2048xf32> to vector<16x2048xf32>
    %mul3A_178 = arith.mulf %get3A_173, %mul3A_177 : vector<16x2048xf32>
    %add3A_179 = arith.addf %add3A_157, %mul3A_178 : vector<16x2048xf32>
    %slice3A_180 = vector.extract_strided_slice %get3A_1 {offsets = [31, 0], sizes = [1, 16], strides = [1, 1]} : vector<36x16xf32> to vector<1x16xf32>
    %squeeze3A_181 = vector.shape_cast %slice3A_180 : vector<1x16xf32> to vector<16xf32>
    %broadcast_in_dim3A_182 = vector.shape_cast %squeeze3A_181 : vector<16xf32> to vector<16x1xf32>
    %dot_general3A_183 = arith.constant dense<0.000000e+00> : vector<1x2048xf32>
    %dot_general3A_184 = tpu.matmul %broadcast_in_dim3A_182, %mul3A_178, %dot_general3A_183 {dimension_numbers = #tpu.dot_dimension_numbers<[0], [0], [1], [1], [0, 1, 1, 1], [], []>, precision = #tpu.contract_precision<fp32>, transpose_lhs_hint = false} : vector<16x1xf32>, vector<16x2048xf32>, vector<1x2048xf32> -> vector<1x2048xf32>
    %add3A_185 = arith.addf %add3A_163, %dot_general3A_184 : vector<1x2048xf32>
    %mul3A_186 = arith.mulf %mul3A_178, %mul3A_178 : vector<16x2048xf32>
    %reduce_sum3A_187 = arith.constant dense<0.000000e+00> : vector<2048xf32>
    %reduce_sum3A_188 = vector.multi_reduction <add>, %mul3A_186, %reduce_sum3A_187 [0] : vector<16x2048xf32> to vector<2048xf32>
    %broadcast_in_dim3A_189 = vector.shape_cast %reduce_sum3A_188 : vector<2048xf32> to vector<1x2048xf32>
    %add3A_190 = arith.addf %add3A_168, %broadcast_in_dim3A_189 : vector<1x2048xf32>
    %get3A_191 = arith.constant 6 : index
    %get3A_192 = arith.constant 0 : index
    %get3A_193 = arith.constant 0 : index
    %get3A_194 = vector.load %arg3[%get3A_191, %get3A_192, %get3A_193] : memref<10x16x2048xf32, #tpu.memory_space<vmem>>, vector<1x16x2048xf32>
    %get3A_195 = vector.shape_cast %get3A_194 : vector<1x16x2048xf32> to vector<16x2048xf32>
    %slice3A_196 = vector.extract_strided_slice %get3A_11 {offsets = [32, 0], sizes = [1, 2048], strides = [1, 1]} : vector<36x2048xf32> to vector<1x2048xf32>
    %squeeze3A_197 = vector.shape_cast %slice3A_196 : vector<1x2048xf32> to vector<2048xf32>
    %broadcast_in_dim3A_198 = vector.shape_cast %squeeze3A_197 : vector<2048xf32> to vector<1x2048xf32>
    %mul3A_199 = vector.broadcast %broadcast_in_dim3A_198 : vector<1x2048xf32> to vector<16x2048xf32>
    %mul3A_200 = arith.mulf %get3A_195, %mul3A_199 : vector<16x2048xf32>
    %add3A_201 = arith.addf %add3A_179, %mul3A_200 : vector<16x2048xf32>
    %slice3A_202 = vector.extract_strided_slice %get3A_1 {offsets = [32, 0], sizes = [1, 16], strides = [1, 1]} : vector<36x16xf32> to vector<1x16xf32>
    %squeeze3A_203 = vector.shape_cast %slice3A_202 : vector<1x16xf32> to vector<16xf32>
    %broadcast_in_dim3A_204 = vector.shape_cast %squeeze3A_203 : vector<16xf32> to vector<16x1xf32>
    %dot_general3A_205 = arith.constant dense<0.000000e+00> : vector<1x2048xf32>
    %dot_general3A_206 = tpu.matmul %broadcast_in_dim3A_204, %mul3A_200, %dot_general3A_205 {dimension_numbers = #tpu.dot_dimension_numbers<[0], [0], [1], [1], [0, 1, 1, 1], [], []>, precision = #tpu.contract_precision<fp32>, transpose_lhs_hint = false} : vector<16x1xf32>, vector<16x2048xf32>, vector<1x2048xf32> -> vector<1x2048xf32>
    %add3A_207 = arith.addf %add3A_185, %dot_general3A_206 : vector<1x2048xf32>
    %mul3A_208 = arith.mulf %mul3A_200, %mul3A_200 : vector<16x2048xf32>
    %reduce_sum3A_209 = arith.constant dense<0.000000e+00> : vector<2048xf32>
    %reduce_sum3A_210 = vector.multi_reduction <add>, %mul3A_208, %reduce_sum3A_209 [0] : vector<16x2048xf32> to vector<2048xf32>
    %broadcast_in_dim3A_211 = vector.shape_cast %reduce_sum3A_210 : vector<2048xf32> to vector<1x2048xf32>
    %add3A_212 = arith.addf %add3A_190, %broadcast_in_dim3A_211 : vector<1x2048xf32>
    %get3A_213 = arith.constant 7 : index
    %get3A_214 = arith.constant 0 : index
    %get3A_215 = arith.constant 0 : index
    %get3A_216 = vector.load %arg3[%get3A_213, %get3A_214, %get3A_215] : memref<10x16x2048xf32, #tpu.memory_space<vmem>>, vector<1x16x2048xf32>
    %get3A_217 = vector.shape_cast %get3A_216 : vector<1x16x2048xf32> to vector<16x2048xf32>
    %slice3A_218 = vector.extract_strided_slice %get3A_11 {offsets = [33, 0], sizes = [1, 2048], strides = [1, 1]} : vector<36x2048xf32> to vector<1x2048xf32>
    %squeeze3A_219 = vector.shape_cast %slice3A_218 : vector<1x2048xf32> to vector<2048xf32>
    %broadcast_in_dim3A_220 = vector.shape_cast %squeeze3A_219 : vector<2048xf32> to vector<1x2048xf32>
    %mul3A_221 = vector.broadcast %broadcast_in_dim3A_220 : vector<1x2048xf32> to vector<16x2048xf32>
    %mul3A_222 = arith.mulf %get3A_217, %mul3A_221 : vector<16x2048xf32>
    %add3A_223 = arith.addf %add3A_201, %mul3A_222 : vector<16x2048xf32>
    %slice3A_224 = vector.extract_strided_slice %get3A_1 {offsets = [33, 0], sizes = [1, 16], strides = [1, 1]} : vector<36x16xf32> to vector<1x16xf32>
    %squeeze3A_225 = vector.shape_cast %slice3A_224 : vector<1x16xf32> to vector<16xf32>
    %broadcast_in_dim3A_226 = vector.shape_cast %squeeze3A_225 : vector<16xf32> to vector<16x1xf32>
    %dot_general3A_227 = arith.constant dense<0.000000e+00> : vector<1x2048xf32>
    %dot_general3A_228 = tpu.matmul %broadcast_in_dim3A_226, %mul3A_222, %dot_general3A_227 {dimension_numbers = #tpu.dot_dimension_numbers<[0], [0], [1], [1], [0, 1, 1, 1], [], []>, precision = #tpu.contract_precision<fp32>, transpose_lhs_hint = false} : vector<16x1xf32>, vector<16x2048xf32>, vector<1x2048xf32> -> vector<1x2048xf32>
    %add3A_229 = arith.addf %add3A_207, %dot_general3A_228 : vector<1x2048xf32>
    %mul3A_230 = arith.mulf %mul3A_222, %mul3A_222 : vector<16x2048xf32>
    %reduce_sum3A_231 = arith.constant dense<0.000000e+00> : vector<2048xf32>
    %reduce_sum3A_232 = vector.multi_reduction <add>, %mul3A_230, %reduce_sum3A_231 [0] : vector<16x2048xf32> to vector<2048xf32>
    %broadcast_in_dim3A_233 = vector.shape_cast %reduce_sum3A_232 : vector<2048xf32> to vector<1x2048xf32>
    %add3A_234 = arith.addf %add3A_212, %broadcast_in_dim3A_233 : vector<1x2048xf32>
    %get3A_235 = arith.constant 8 : index
    %get3A_236 = arith.constant 0 : index
    %get3A_237 = arith.constant 0 : index
    %get3A_238 = vector.load %arg3[%get3A_235, %get3A_236, %get3A_237] : memref<10x16x2048xf32, #tpu.memory_space<vmem>>, vector<1x16x2048xf32>
    %get3A_239 = vector.shape_cast %get3A_238 : vector<1x16x2048xf32> to vector<16x2048xf32>
    %slice3A_240 = vector.extract_strided_slice %get3A_11 {offsets = [34, 0], sizes = [1, 2048], strides = [1, 1]} : vector<36x2048xf32> to vector<1x2048xf32>
    %squeeze3A_241 = vector.shape_cast %slice3A_240 : vector<1x2048xf32> to vector<2048xf32>
    %broadcast_in_dim3A_242 = vector.shape_cast %squeeze3A_241 : vector<2048xf32> to vector<1x2048xf32>
    %mul3A_243 = vector.broadcast %broadcast_in_dim3A_242 : vector<1x2048xf32> to vector<16x2048xf32>
    %mul3A_244 = arith.mulf %get3A_239, %mul3A_243 : vector<16x2048xf32>
    %add3A_245 = arith.addf %add3A_223, %mul3A_244 : vector<16x2048xf32>
    %slice3A_246 = vector.extract_strided_slice %get3A_1 {offsets = [34, 0], sizes = [1, 16], strides = [1, 1]} : vector<36x16xf32> to vector<1x16xf32>
    %squeeze3A_247 = vector.shape_cast %slice3A_246 : vector<1x16xf32> to vector<16xf32>
    %broadcast_in_dim3A_248 = vector.shape_cast %squeeze3A_247 : vector<16xf32> to vector<16x1xf32>
    %dot_general3A_249 = arith.constant dense<0.000000e+00> : vector<1x2048xf32>
    %dot_general3A_250 = tpu.matmul %broadcast_in_dim3A_248, %mul3A_244, %dot_general3A_249 {dimension_numbers = #tpu.dot_dimension_numbers<[0], [0], [1], [1], [0, 1, 1, 1], [], []>, precision = #tpu.contract_precision<fp32>, transpose_lhs_hint = false} : vector<16x1xf32>, vector<16x2048xf32>, vector<1x2048xf32> -> vector<1x2048xf32>
    %add3A_251 = arith.addf %add3A_229, %dot_general3A_250 : vector<1x2048xf32>
    %mul3A_252 = arith.mulf %mul3A_244, %mul3A_244 : vector<16x2048xf32>
    %reduce_sum3A_253 = arith.constant dense<0.000000e+00> : vector<2048xf32>
    %reduce_sum3A_254 = vector.multi_reduction <add>, %mul3A_252, %reduce_sum3A_253 [0] : vector<16x2048xf32> to vector<2048xf32>
    %broadcast_in_dim3A_255 = vector.shape_cast %reduce_sum3A_254 : vector<2048xf32> to vector<1x2048xf32>
    %add3A_256 = arith.addf %add3A_234, %broadcast_in_dim3A_255 : vector<1x2048xf32>
    %get3A_257 = arith.constant 9 : index
    %get3A_258 = arith.constant 0 : index
    %get3A_259 = arith.constant 0 : index
    %get3A_260 = vector.load %arg3[%get3A_257, %get3A_258, %get3A_259] : memref<10x16x2048xf32, #tpu.memory_space<vmem>>, vector<1x16x2048xf32>
    %get3A_261 = vector.shape_cast %get3A_260 : vector<1x16x2048xf32> to vector<16x2048xf32>
    %slice3A_262 = vector.extract_strided_slice %get3A_11 {offsets = [35, 0], sizes = [1, 2048], strides = [1, 1]} : vector<36x2048xf32> to vector<1x2048xf32>
    %squeeze3A_263 = vector.shape_cast %slice3A_262 : vector<1x2048xf32> to vector<2048xf32>
    %broadcast_in_dim3A_264 = vector.shape_cast %squeeze3A_263 : vector<2048xf32> to vector<1x2048xf32>
    %mul3A_265 = vector.broadcast %broadcast_in_dim3A_264 : vector<1x2048xf32> to vector<16x2048xf32>
    %mul3A_266 = arith.mulf %get3A_261, %mul3A_265 : vector<16x2048xf32>
    %add3A_267 = arith.addf %add3A_245, %mul3A_266 : vector<16x2048xf32>
    %slice3A_268 = vector.extract_strided_slice %get3A_1 {offsets = [35, 0], sizes = [1, 16], strides = [1, 1]} : vector<36x16xf32> to vector<1x16xf32>
    %squeeze3A_269 = vector.shape_cast %slice3A_268 : vector<1x16xf32> to vector<16xf32>
    %broadcast_in_dim3A_270 = vector.shape_cast %squeeze3A_269 : vector<16xf32> to vector<16x1xf32>
    %dot_general3A_271 = arith.constant dense<0.000000e+00> : vector<1x2048xf32>
    %dot_general3A_272 = tpu.matmul %broadcast_in_dim3A_270, %mul3A_266, %dot_general3A_271 {dimension_numbers = #tpu.dot_dimension_numbers<[0], [0], [1], [1], [0, 1, 1, 1], [], []>, precision = #tpu.contract_precision<fp32>, transpose_lhs_hint = false} : vector<16x1xf32>, vector<16x2048xf32>, vector<1x2048xf32> -> vector<1x2048xf32>
    %add3A_273 = arith.addf %add3A_251, %dot_general3A_272 : vector<1x2048xf32>
    %mul3A_274 = arith.mulf %mul3A_266, %mul3A_266 : vector<16x2048xf32>
    %reduce_sum3A_275 = arith.constant dense<0.000000e+00> : vector<2048xf32>
    %reduce_sum3A_276 = vector.multi_reduction <add>, %mul3A_274, %reduce_sum3A_275 [0] : vector<16x2048xf32> to vector<2048xf32>
    %broadcast_in_dim3A_277 = vector.shape_cast %reduce_sum3A_276 : vector<2048xf32> to vector<1x2048xf32>
    %add3A_278 = arith.addf %add3A_256, %broadcast_in_dim3A_277 : vector<1x2048xf32>
    %mul3A_279 = arith.mulf %add3A_267, %add3A_267 : vector<16x2048xf32>
    %reduce_sum3A_280 = arith.constant dense<0.000000e+00> : vector<2048xf32>
    %reduce_sum3A_281 = vector.multi_reduction <add>, %mul3A_279, %reduce_sum3A_280 [0] : vector<16x2048xf32> to vector<2048xf32>
    %broadcast_in_dim3A_282 = vector.shape_cast %reduce_sum3A_281 : vector<2048xf32> to vector<1x2048xf32>
    %sub3A = arith.subf %broadcast_in_dim3A_282, %add3A_278 : vector<1x2048xf32>
    %mul3A_283 = arith.constant 5.000000e-01 : f32
    %mul3A_284 = vector.broadcast %mul3A_283 : f32 to vector<1x2048xf32>
    %mul3A_285 = arith.mulf %mul3A_284, %sub3A : vector<1x2048xf32>
    %add3A_286 = arith.addf %add3A_273, %mul3A_285 : vector<1x2048xf32>
    %add3A_287 = vector.broadcast %get3A_5 : f32 to vector<1x2048xf32>
    %add3A_288 = arith.addf %add3A_286, %add3A_287 : vector<1x2048xf32>
    %squeeze3A_289 = vector.shape_cast %add3A_288 : vector<1x2048xf32> to vector<2048xf32>
    %get3A_290 = arith.constant 0 : index
    %get3A_291 = vector.load %arg8[%get3A_290] : memref<2048xf32, #tpu.memory_space<vmem>>, vector<2048xf32>
    %add3A_292 = arith.addf %squeeze3A_289, %get3A_291 : vector<2048xf32>
    %swap3A = arith.constant 0 : index
    %swap3A_293 = vector.load %arg9[%swap3A] : memref<2048xf32, #tpu.memory_space<vmem>>, vector<2048xf32>
    tpu.vector_store %arg9[%swap3A], %add3A_292 {strides = array<i32>} : memref<2048xf32, #tpu.memory_space<vmem>>, vector<2048xf32>,
    return
  }
  func.func @transform_0(%arg0: i32) -> (i32, i32) {
    %c0_i32 = arith.constant 0 : i32
    %c0_i32_0 = arith.constant 0 : i32
    return %c0_i32, %arg0 : i32, i32
  }
  func.func @transform_1(%arg0: i32) -> (i32, i32) {
    %c0_i32 = arith.constant 0 : i32
    %c0_i32_0 = arith.constant 0 : i32
    return %c0_i32, %arg0 : i32, i32
  }
  func.func @transform_2(%arg0: i32) -> (i32, i32, i32) {
    %c0_i32 = arith.constant 0 : i32
    %c0_i32_0 = arith.constant 0 : i32
    %c0_i32_1 = arith.constant 0 : i32
    return %c0_i32, %c0_i32_0, %arg0 : i32, i32, i32
  }
  func.func @transform_3(%arg0: i32) -> (i32, i32) {
    %c0_i32 = arith.constant 0 : i32
    %c0_i32_0 = arith.constant 0 : i32
    %c0_i32_1 = arith.constant 0 : i32
    return %c0_i32, %c0_i32_0 : i32, i32
  }
  func.func @transform_4(%arg0: i32) -> (i32, i32) {
    %c0_i32 = arith.constant 0 : i32
    %c0_i32_0 = arith.constant 0 : i32
    %c0_i32_1 = arith.constant 0 : i32
    return %c0_i32, %c0_i32_0 : i32, i32
  }
  func.func @transform_5(%arg0: i32) -> (i32, i32) {
    %c0_i32 = arith.constant 0 : i32
    %c0_i32_0 = arith.constant 0 : i32
    %c0_i32_1 = arith.constant 0 : i32
    return %c0_i32, %c0_i32_0 : i32, i32
  }
  func.func @transform_6(%arg0: i32) -> (i32, i32) {
    %c0_i32 = arith.constant 0 : i32
    %c0_i32_0 = arith.constant 0 : i32
    %c0_i32_1 = arith.constant 0 : i32
    return %c0_i32, %c0_i32_0 : i32, i32
  }
  func.func @transform_7(%arg0: i32) -> i32 {
    %c0_i32 = arith.constant 0 : i32
    return %arg0 : i32
  }
  func.func @transform_8(%arg0: i32) -> i32 {
    %c0_i32 = arith.constant 0 : i32
    return %arg0 : i32
  }
}

</mosaic_0001>

<sc_bundles>
// kernel: kernel.6.cloned.1.call-start
scs
__scs_entry_jumppad:
0x0: {  	(pc) =	sbr.rel $0x88, $3  }
0x1: {  	(tag) =	ssettag $0x0;
	lr =	simm.s32 $0x1  }
0x2: {  	[smem:$0x3F8F] =	sst lr;
	_ =	strace $0xD0000000  }
0x3: {  	_ = 	snop  }
0x4: {  	_ = 	snop  }
0x5: {  	_ = 	snop  }
0x6: {  	_ = 	snop  }
0x7: {  	_ = 	snop  }
__scs_overlays_trampoline_lowered:
0x8: {  	[smem:$0x3F9E] =	sst s0  }
0x9: {  	[smem:$0x3F9F] =	sst s1  }
0xa: {  	[smem:$0x3FA0] =	sst s2  }
0xb: {  	[smem:$0x3FA1] =	sst s3  }
0xc: {  	[smem:$0x3FA2] =	sst s4  }
0xd: {  	[smem:$0x3FA3] =	sst s5  }
0xe: {  	[smem:$0x3FA4] =	sst s6  }
0xf: {  	[smem:$0x3FA5] =	sst s7  }
0x10: {  	[smem:$0x3FA6] =	sst s8  }
0x11: {  	[smem:$0x3FA7] =	sst s9;
	s0 =	simm.s32 @!p0 $0x0  }
0x12: {  	s1 =	sld [smem:$0x3F8D];
	s0 =	simm.s32 @p0 $0x1  }
0x13: {  	[smem:$0x3FA8] =	sst s0;
	s0 =	simm.s32 @!p1 $0x0  }
0x14: {  	s2 =	sld [smem:$0x3F8C];
	s0 =	simm.s32 @p1 $0x1  }
0x15: {  	[smem:$0x3FA9] =	sst s0;
	s0 =	simm.s32 @!p2 $0x0  }
0x16: {  	s3 =	sld [smem:$0x3FDB];
	s0 =	simm.s32 @p2 $0x1  }
0x17: {  	s4 =	simm.s32 $0x1BF5;
	[smem:$0x3FAB] =	sst s0  }
0x18: {  	s0 =	sld [smem:$0x3F8E];
	_ =	swait.ge [sflag:s4], $0x0  }
0x19: {  	s7 =	sld [smem:$0x3F8F]  }
0x1a: {  	s8 =	sadd.s32 $0xFFFFE003, lr  }
0x1b: {  	s9 =	sadd.s32 $0xFFFFFEF7, lr;
	s5 =	simm.s32 $0xFFFFFFFF;
	p2 =	slt.u32 s8, $0xFFFFF086  }
0x1c: {  	p1 =	slt.u32 s9, $0xF7A;
	s5 =	simm.s32 @!p2 $0x0  }
0x1d: {  	s5 =	simm.s32 @p1 $0x1;
	p0 =	seq.s32 s7, s2  }
0x1e: {  	s7 =	smul.u32 @!p0 $0xF7A, s2;
	p2 =	seq.s32 @!p0 s5, $0x0  }
0x1f: {  	s9 =	smul.u32 $0xF7A, s1;
	s8 =	simm.s32 @!p0 $0x1BF5;
	p2 =	por !p2, p0  }
0x20: {  	[sflag:s8] =	ssyncset.s32 @!p0 $0xFFFFF086;
	s6 =	sadd.s32 @!p0 s3, s7;
	s7 =	simm.s32 @!p0 $0x108  }
0x21: {  	s3 =	sadd.s32 s3, s9;
	s6 =	sadd.s32 @!p0 $0x88, s6;
	s7 =	simm.s32 @p2 $0x1082  }
0x22: {  	[simem:s7], [sflag:s8] =	dma.local @!p0 [hbm:s6], $0xF7A  }
0x23: {  	s9 =	sor.u32 $0xD0000000, s2;
	s6 =	simm.s32 $0x108;
	_ =	swait.ge @!p0 [sflag:s8], $0x0  }
0x24: {  	s3 =	sadd.s32 $0x88, s3;
	s6 =	simm.s32 @!p1 $0x1082;
	[sflag:s4] =	ssyncset.s32 $0xFFFFF086  }
0x25: {  	[simem:s6], [sflag:s4] =	dma.local [hbm:s3], $0xF7A  }
0x26: {  	[smem:$0x3F8F] =	sst s1;
	(tag) =	ssettag s2;
	_ =	strace s9  }
0x27: {  	s1 =	sld [smem:$0x3F9F]  }
0x28: {  	s2 =	sld [smem:$0x3FA0]  }
0x29: {  	s4 =	sld [smem:$0x3FA2]  }
0x2a: {  	p0 =	seq.s32 s5, $0x0;
	s5 =	sld [smem:$0x3FA3]  }
0x2b: {  	s6 =	sld [smem:$0x3FA4]  }
0x2c: {  	s7 =	sld [smem:$0x3FA5]  }
0x2d: {  	s3 =	simm.s32 $0x108;
	s8 =	sld [smem:$0x3FA6]  }
0x2e: {  	s3 =	simm.s32 @!p0 $0x1082;
	s9 =	sld [smem:$0x3FA7]  }
0x2f: {  	lr =	sadd.s32 s0, s3;
	s0 =	sld [smem:$0x3F9E]  }
0x30: {  	s3 =	sld [smem:$0x3FA1]  }
0x31: {  	[smem:$0x3FAA] =	sst s10  }
0x32: {  	s10 =	sld [smem:$0x3FA8];
	_ =	sdelay $0x3  }
0x33: {  	p0 =	seq.s32 s10, $0x1;
	s10 =	sld [smem:$0x3FAA];
	_ =	sdelay $0x3  }
0x34: {  	[smem:$0x3FAA] =	sst s10  }
0x35: {  	s10 =	sld [smem:$0x3FA9];
	_ =	sdelay $0x3  }
0x36: {  	p1 =	seq.s32 s10, $0x1;
	s10 =	sld [smem:$0x3FAA];
	_ =	sdelay $0x3  }
0x37: {  	[smem:$0x3FAA] =	sst s10  }
0x38: {  	s10 =	sld [smem:$0x3FAB]  }
0x39: {  	_ = 	snop;
	(pc) =	sbr.ind lr, $3  }
0x3a: {  	_ = 	snop  }
0x3b: {  	_ = 	snop  }
0x3c: {  	p2 =	seq.s32 s10, $0x1;
	s10 =	sld [smem:$0x3FAA]  }
0x3d: {  	_ =	shalt  }
0x3e: {  	_ =	shalt  }
0x3f: {  	_ =	shalt  }
0x40: {  	_ =	shalt  }
0x41: {  	_ =	shalt  }
0x42: {  	_ =	shalt  }
0x43: {  	_ =	shalt  }
0x44: {  	_ =	shalt  }
0x45: {  	_ =	shalt  }
0x46: {  	_ =	shalt  }
0x47: {  	_ =	shalt  }
0x48: {  	_ =	shalt  }
0x49: {  	_ =	shalt  }
0x4a: {  	_ =	shalt  }
0x4b: {  	_ =	shalt  }
0x4c: {  	_ =	shalt  }
0x4d: {  	_ =	shalt  }
0x4e: {  	_ =	shalt  }
0x4f: {  	_ =	shalt  }
0x50: {  	_ =	shalt  }
0x51: {  	_ =	shalt  }
0x52: {  	_ =	shalt  }
0x53: {  	_ =	shalt  }
0x54: {  	_ =	shalt  }
0x55: {  	_ =	shalt  }
0x56: {  	_ =	shalt  }
0x57: {  	_ =	shalt  }
0x58: {  	_ =	shalt  }
0x59: {  	_ =	shalt  }
0x5a: {  	_ =	shalt  }
0x5b: {  	_ =	shalt  }
0x5c: {  	_ =	shalt  }
0x5d: {  	_ =	shalt  }
0x5e: {  	_ =	shalt  }
0x5f: {  	_ =	shalt  }
0x60: {  	_ =	shalt  }
0x61: {  	_ =	shalt  }
0x62: {  	_ =	shalt  }
0x63: {  	_ =	shalt  }
0x64: {  	_ =	shalt  }
0x65: {  	_ =	shalt  }
0x66: {  	_ =	shalt  }
0x67: {  	_ =	shalt  }
0x68: {  	_ =	shalt  }
0x69: {  	_ =	shalt  }
0x6a: {  	_ =	shalt  }
0x6b: {  	_ =	shalt  }
0x6c: {  	_ =	shalt  }
0x6d: {  	_ =	shalt  }
0x6e: {  	_ =	shalt  }
0x6f: {  	_ =	shalt  }
0x70: {  	_ =	shalt  }
0x71: {  	_ =	shalt  }
0x72: {  	_ =	shalt  }
0x73: {  	_ =	shalt  }
0x74: {  	_ =	shalt  }
0x75: {  	_ =	shalt  }
0x76: {  	_ =	shalt  }
0x77: {  	_ =	shalt  }
0x78: {  	_ =	shalt  }
0x79: {  	_ =	shalt  }
0x7a: {  	_ =	shalt  }
0x7b: {  	_ =	shalt  }
0x7c: {  	_ =	shalt  }
0x7d: {  	_ =	shalt  }
0x7e: {  	_ =	shalt  }
0x7f: {  	_ =	shalt  }
0x80: {  	_ =	shalt  }
0x81: {  	_ =	shalt  }
0x82: {  	_ =	shalt  }
0x83: {  	_ =	shalt  }
0x84: {  	_ =	shalt  }
0x85: {  	_ =	shalt  }
0x86: {  	_ =	shalt  }
0x87: {  	_ =	shalt  }
.Lfunc_end0:
.L_simem_size_0:
called_computation_lowered:
.L_overlay_start_0:
0x88: {  	s2 =	sld [smem:$0x3FD9]  }
0x89: {  	s3 =	sld [smem:$0x3FFE];
	_ =	sdelay $0x1  }
0x8a: {  	s1 =	srdreg.scid  }
0x8b: {  	s0 =	sand.u32 $0x1, s1  }
0x8c: {  	s16 =	sshll.u32 s0, $0xA;
	s2 =	sadd.s32 s3, s2  }
0x8d: {  	s2 =	sadd.s32 s2, s16  }
0x8e: {  	[smem:$0x3FB6] =	sst s2  }
0x8f: {  	_ = 	snop  }
0x90: {  	(tm) =	ssettm $0x1  }
0x91: {  	s17 =	sld [smem:$0x3FFB];
	_ =	sdelay $0x3  }
0x92: {  	_ =	strace s17  }
0x93: {  	s2 =	sld [smem:$0x3FFC];
	_ =	sdelay $0x3  }
0x94: {  	_ =	strace s2  }
0x95: {  	s2 =	sld [smem:$0x3FFD];
	_ =	sdelay $0x3  }
0x96: {  	_ =	strace s2  }
0x97: {  	_ =	strace $0x8FFFFFFF  }
0x98: {  	s18 =	sld [smem:$0x3FDB];
	_ =	sdelay $0x1  }
0x99: {  	s19 =	simm.s32 $_scs_section_size  }
0x9a: {  	s4 =	simm.s32 $_size__tile_overlayer_lowered;
	s5 =	simm.s32 $_tile_overlayer_lowered  }
0x9b: {  	s22 =	simm.s32 $0x1BFF;
	s21 =	sshll.u32 s5, $0x1;
	s2 =	sadd.s32 s19, s18  }
0x9c: {  	s6 =	simm.s32 $0x0;
	s20 =	sshll.u32 s4, $0x1;
	s4 =	sadd.s32 s21, s2  }
0x9d: {  	[timem:s6], [sflag:s22] =	dma.local [hbm:s4], s20  }
0x9e: {  	_ =	swait.ge [sflag:s22], s20  }
0x9f: {  	s3 =	ssub.s32 $0x0, s20;
	[sflag:s22] =	ssyncset.done $0x0  }
0xa0: {  	[sflag:s22] =	ssyncadd.s32 s3;
	_ =	sdelay $0x1  }
0xa1: {  	s23 =	simm.s32 $0x1B8B  }
0xa2: {  	_ =	swait.ge [sflag:s23], $0x1  }
0xa3: {  	[sflag:s23] =	ssyncset.done $0x0  }
0xa4: {  	s25 =	simm.s32 $0x1B8E;
	s24 =	sld [smem:$0x3FFE];
	[sflag:s23] =	ssyncadd.s32 $0xFFFFFFFF  }
0xa5: {  	s26 =	simm.s32 $execute0_lowered;
	[smem:$0x3FD2] =	sst s25  }
0xa6: {  	s4 =	sshll.u32 s26, $0x1;
	_ =	strace $0x80000046;
	[dreg:$0x1] =	wrdreg $0xFFFFFFFF  }
0xa7: {  	s28 =	simm.s32 $_size_execute0_lowered;
	s2 =	sadd.s32 s2, s4;
	[dreg:$0x0] =	wrdreg $0x0  }
0xa8: {  	s4 =	sshll.u32 s28, $0x1;
	[dreg:$0x2] =	wrdreg s2  }
0xa9: {  	[dreg:$0x3] =	wrdreg s4  }
0xaa: {  	[dreg:$0x4] =	wrdreg $0xC0  }
0xab: {  	_ =	task [dreg:s6], $0x5FFFF  }
0xac: {  	[dreg:$0x1] =	wrdreg $0xFFFFFFFF  }
0xad: {  	[dreg:$0x0] =	wrdreg $0x60  }
0xae: {  	[dreg:$0x2] =	wrdreg s24  }
0xaf: {  	[dreg:$0x3] =	wrdreg $0x9  }
0xb0: {  	_ =	task.clear_ibuf [dreg:s6], $0x4FFFF;
	_ =	strace $0x90000046  }
0xb1: {  	s29 =	simm.s32 $0x9;
	_ =	strace $0x80000048  }
0xb2: {  	_ =	swait.ge [sflag:s29], $0x1  }
0xb3: {  	[sflag:s29] =	ssyncadd.s32 $0xFFFFFFFF  }
0xb4: {  	_ =	strace $0x90000048  }
0xb5: {  	_ =	sfence  }
0xb6: {  	s30 =	sld [smem:$0x0];
	_ =	sdelay $0x2  }
0xb7: {  	s31 =	sshll.u32 s1, $0xD;
	s1 =	sshrl.u32 s1, $0x2  }
0xb8: {  	s3 =	sand.u32 $0x4000, s31;
	s1 =	sadd.s32 s1, s30  }
0xb9: {  	s0 =	sor.u32 s3, s0;
	s1 =	sshll.u32 s1, $0x11  }
0xba: {  	s0 =	sor.u32 s1, s0  }
0xbb: {  	s0 =	sadd.s32 $0x8F2B, s0  }
0xbc: {  	[sflag:s0] =	ssyncadd.remote.s32 $0x1  }
0xbd: {  	_ =	sfence.sel $0xFFFF  }
0xbe: {  	[dreg:$0x0] =	wrdreg $0xFFFFFFFF;
	(pc) =	sbr.abs _section_cstart, $3  }
0xbf: {  	[dreg:$0x1] =	wrdreg $0xFFFFFFFF  }
0xc0: {  	_ =	task.clear_ibuf [dreg:s6], $0x2FFFF;
	_ =	strace $0x9FFFFFFF  }
0xc1: {  	(tm) =	ssettm $0x7FFFFFFF  }
tec
execute0_lowered:
.L_overlay_start_1:
0x0: {  	(tag) =	ssettag $0x1  }
0x1: {  	s0 =	rddreg [dreg:$0x0];
	s2 =	simm.s32 $0x0  }
0x2: {  	s1 =	srdreg.scid;
	s3 =	stileid.u32;
	s16 =	simm.s32 $0x2  }
0x3: {  	s17 =	simm.s32 $0x200;
	s25 =	simm.s32 $0x1200;
	s26 =	simm.s32 $0x80  }
0x4: {  	s28 =	simm.s32 $0x1;
	s29 =	simm.s32 $0x4000;
	s30 =	simm.s32 $0x1400  }
0x5: {  	s31 =	simm.s32 $0x0;
	[smem:$0x7FF] =	sst s2;
	s1 =	sand.u32 $0x1, s1  }
0x6: {  	s3 =	sshll.u32 s3, $0x7;
	s4 =	sshll.u32 s1, $0x6;
	s1 =	ssub.s32 $0x2, s1  }
0x7: {  	_ =	strace $0x80000047;
	s4 =	sor.u32 s4, s3;
	s5 =	sshrl.u32 s1, $0x1  }
0x8: {  	s3 =	sadd.s32 $0x14200, s0;
	s0 =	sadd.s32 s4, s0;
	s1 =	ssub.s32 s1, s5  }
0x9: {  	s4 =	sadd.s32 $0xF200, s0;
	s5 =	sadd.s32 $0xFA00, s0;
	s6 =	sadd.s32 $0x10200, s0  }
0xa: {  	s7 =	sadd.s32 $0x10A00, s0;
	s8 =	sadd.s32 $0x11200, s0;
	s9 =	sadd.s32 $0x11A00, s0  }
0xb: {  	s10 =	sadd.s32 $0x12200, s0;
	s11 =	sadd.s32 $0x12A00, s0;
	s12 =	sadd.s32 $0x13200, s0  }
0xc: {  	s13 =	sadd.s32 $0x13A00, s0;
	s14 =	sadd.s32 $0x1FE200, s0;
	s15 =	smax.u32 s1, $0x1  }
.LBB2_1:
0xd: {  	[tilespmem:s2], [sflag:$0x2] =	stream.linear.gather [hbm4b:s4+s2], $0x200, $0x38;
	[tilespmem:$0x15400] =	vst v63  }
0xe: {  	_ =	swait.ge [sflag:s16], $0x200  }
0xf: {  	[sflag:s16] =	ssyncset.done $0x0  }
0x10: {  	[sflag:s16] =	ssyncadd.s32 $0xFFFFFE00  }
0x11: {  	[tilespmem:s17], [sflag:$0x2] =	stream.linear.gather [hbm4b:s5+s2], $0x200, $0x38;
	[tilespmem:$0x15400] =	vst v63  }
0x12: {  	_ =	swait.ge [sflag:s16], $0x200  }
0x13: {  	[sflag:s16] =	ssyncset.done $0x0  }
0x14: {  	s0 =	simm.s32 $0x400;
	[sflag:s16] =	ssyncadd.s32 $0xFFFFFE00  }
0x15: {  	[tilespmem:s0], [sflag:$0x2] =	stream.linear.gather [hbm4b:s6+s2], $0x200, $0x38;
	[tilespmem:$0x15400] =	vst v63  }
0x16: {  	_ =	swait.ge [sflag:s16], $0x200  }
0x17: {  	[sflag:s16] =	ssyncset.done $0x0  }
0x18: {  	s24 =	simm.s32 $0x600;
	[sflag:s16] =	ssyncadd.s32 $0xFFFFFE00  }
0x19: {  	[tilespmem:s24], [sflag:$0x2] =	stream.linear.gather [hbm4b:s7+s2], $0x200, $0x38;
	[tilespmem:$0x15400] =	vst v63  }
0x1a: {  	_ =	swait.ge [sflag:s16], $0x200  }
0x1b: {  	[sflag:s16] =	ssyncset.done $0x0  }
0x1c: {  	s1 =	simm.s32 $0x800;
	[sflag:s16] =	ssyncadd.s32 $0xFFFFFE00  }
0x1d: {  	[tilespmem:s1], [sflag:$0x2] =	stream.linear.gather [hbm4b:s8+s2], $0x200, $0x38;
	[tilespmem:$0x15400] =	vst v63  }
0x1e: {  	_ =	swait.ge [sflag:s16], $0x200  }
0x1f: {  	[sflag:s16] =	ssyncset.done $0x0  }
0x20: {  	s18 =	simm.s32 $0xA00;
	[sflag:s16] =	ssyncadd.s32 $0xFFFFFE00  }
0x21: {  	[tilespmem:s18], [sflag:$0x2] =	stream.linear.gather [hbm4b:s9+s2], $0x200, $0x38;
	[tilespmem:$0x15400] =	vst v63  }
0x22: {  	_ =	swait.ge [sflag:s16], $0x200  }
0x23: {  	[sflag:s16] =	ssyncset.done $0x0  }
0x24: {  	s19 =	simm.s32 $0xC00;
	[sflag:s16] =	ssyncadd.s32 $0xFFFFFE00  }
0x25: {  	[tilespmem:s19], [sflag:$0x2] =	stream.linear.gather [hbm4b:s10+s2], $0x200, $0x38;
	[tilespmem:$0x15400] =	vst v63  }
0x26: {  	_ =	swait.ge [sflag:s16], $0x200  }
0x27: {  	[sflag:s16] =	ssyncset.done $0x0  }
0x28: {  	s20 =	simm.s32 $0xE00;
	[sflag:s16] =	ssyncadd.s32 $0xFFFFFE00  }
0x29: {  	[tilespmem:s20], [sflag:$0x2] =	stream.linear.gather [hbm4b:s11+s2], $0x200, $0x38;
	[tilespmem:$0x15400] =	vst v63  }
0x2a: {  	s21 =	simm.s32 $0x1000;
	s22 =	simm.s32 $0x0;
	_ =	swait.ge [sflag:s16], $0x200  }
0x2b: {  	s23 =	sand.u32 $0x180, s2;
	s1 =	simm.s32 $0x0;
	[sflag:s16] =	ssyncset.done $0x0  }
0x2c: {  	s0 =	sand.u32 $0xF, s22;
	s1 =	sand.u32 $0x3FFFE000, s1;
	[sflag:s16] =	ssyncadd.s32 $0xFFFFFE00  }
0x2d: {  	[tilespmem:s21], [sflag:$0x2] =	stream.linear.gather [hbm4b:s12+s2], $0x200, $0x38;
	[tilespmem:$0x15400] =	vst v63  }
0x2e: {  	s18 =	sshll.u32 s0, $0x9;
	s0 =	smul.u32 $0x3100, s0;
	_ =	swait.ge [sflag:s16], $0x200  }
0x2f: {  	s1 =	sor.u32 s18, s1;
	s19 =	simm.s32 $0x0;
	[sflag:s16] =	ssyncset.done $0x0  }
0x30: {  	s1 =	sor.u32 s23, s1;
	s19 =	smul.u32 $0x31000, s19;
	[sflag:s16] =	ssyncadd.s32 $0xFFFFFE00  }
0x31: {  	[tilespmem:s25], [sflag:$0x2] =	stream.linear.gather [hbm4b:s13+s2], $0x200, $0x38;
	[tilespmem:$0x15400] =	vst v63  }
0x32: {  	s1 =	sadd.s32 $0x1400, s1;
	s20 =	simm.s32 $0x0;
	_ =	swait.ge [sflag:s16], $0x200  }
0x33: {  	s24 =	sadd.s32 s3, s19;
	s20 =	sand.u32 $0x3FFFFE00, s20;
	[sflag:s16] =	ssyncset.done $0x0  }
0x34: {  	s0 =	sadd.s32 s0, s24;
	s20 =	sor.u32 s23, s20;
	[sflag:s16] =	ssyncadd.s32 $0xFFFFFE00  }
0x35: {  	[tilespmem:s1], [sflag:$0x1] =	stream.indirect.gather [hbm4b:s0+s26], $0x1, s20, s26, $0xb8;
	[tilespmem:$0x15400] =	vst v63  }
0x36: {  	p0 =	por $0x1, $0x1;
	s0 =	simm.s32 $0x1;
	s1 =	simm.s32 $0x80  }
.LBB2_2:
0x37: {  	s18 =	sshrl.u32 s0, $0x6;
	s19 =	sshll.u32 s0, $0x7;
	s20 =	sshll.u32 s0, $0x3  }
0x38: {  	s21 =	sshrl.u32 s0, $0x2;
	s22 =	sand.u32 $0x180, s1;
	s23 =	simm.s32 @!p0 $0x1  }
0x39: {  	s21 =	sand.u32 $0xF, s21;
	s19 =	sand.u32 $0x3FFFE000, s19;
	s20 =	sand.u32 $0x3FFFFE00, s20  }
0x3a: {  	s18 =	smul.u32 $0x31000, s18;
	s24 =	sshll.u32 s21, $0x9;
	s20 =	sor.u32 s22, s20  }
0x3b: {  	s21 =	smul.u32 $0x3100, s21;
	s19 =	sor.u32 s24, s19;
	_ =	swait.ge @!p0 [sflag:s23], $0x80  }
0x3c: {  	s18 =	sadd.s32 s3, s18;
	s19 =	sor.u32 s22, s19;
	[sflag:s23] =	ssyncset.done @!p0 $0x0  }
0x3d: {  	s18 =	sadd.s32 s21, s18;
	s19 =	sadd.s32 $0x1400, s19;
	[sflag:s23] =	ssyncadd.s32 @!p0 $0xFFFFFF80  }
0x3e: {  	[tilespmem:s19], [sflag:$0x1] =	stream.indirect.gather [hbm4b:s18+s26], $0x1, s20, s26, $0xb8;
	[tilespmem:$0x15400] =	vst v63  }
0x3f: {  	s18 =	smov.u32 s0;
	s0 =	sadd.s32 $0x1, s0  }
0x40: {  	p1 =	sne.s32 s0, $0x280  }
.Ltmp0:
0x41: {  	_ = 	snop;
	(pc) =	sbr.rel @p1 .LBB2_2-.Ltmp0, $2  }
0x42: {  	_ =	sdelay $0x2  }
0x43: {  	s1 =	sadd.s32 $0x80, s1;
	p0 =	slt.u32 s18, $0x30  }
0x44: {  	s0 =	simm.s32 @!p0 $0x1  }
0x45: {  	_ =	swait.ge @!p0 [sflag:s0], $0x80  }
0x46: {  	[sflag:s0] =	ssyncset.done @!p0 $0x0  }
0x47: {  	[sflag:s0] =	ssyncadd.s32 @!p0 $0xFFFFFF80  }
0x48: {  	_ =	swait.ge [sflag:s28], $0x80  }
0x49: {  	s0 =	simm.s32 $0x2F;
	[sflag:s28] =	ssyncset.done $0x0  }
.LBB2_4:
0x4a: {  	p0 =	sne.s32 s0, $0x1;
	s0 =	sadd.s32 $0xFFFFFFFF, s0;
	[sflag:s28] =	ssyncadd.s32 $0xFFFFFF80  }
.Ltmp1:
0x4b: {  	(pc) =	sbr.rel @p0 .LBB2_4-.Ltmp1, $3  }
0x4c: {  	_ =	sdelay $0x1  }
0x4d: {  	_ =	swait.ge [sflag:s28], $0x80  }
0x4e: {  	[sflag:s28] =	ssyncset.done $0x0  }
0x4f: {  	s31 =	sadd.s32 $0x1, s31  }
0x50: {  	p0 =	sne.s32 s31, s15  }
.Ltmp2:
0x51: {  	[sflag:s28] =	ssyncadd.s32 $0xFFFFFF80;
	(pc) =	sbr.rel @p0 .LBB2_1-.Ltmp2, $4  }
0x52: {  	[hbm4b:s14+s17] =	stream.strided.scatter [tilespmem:s30], [sflag:$0x2], $0x14000, s29, s17, $0x38;
	[tilespmem:$0x15400] =	vst v63  }
0x53: {  	_ =	swait.ge [sflag:s16], $0x14000  }
0x54: {  	[sflag:s16] =	ssyncset.done $0x0  }
0x55: {  	[sflag:s16] =	ssyncadd.s32 $0xFFFEC000  }
0x56: {  	_ =	sfence.sel $0x180000  }
0x57: {  	[bflag:$0x0] =	sbarrier.arrive $0xFFFF  }
0x58: {  	_ =	strace $0x90000047  }
0x59: {  	s0 =	stileid.u32;
	[bflag:$0x2] =	sbarrier.arrive $0xFFFF  }
0x5a: {  	p0 =	sne.s32 s0, $0x0;
	s0 =	rddreg [dreg:$0x1]  }
0x5b: {  	s0 =	sadd.s32 @!p0 $0x100000, s0  }
0x5c: {  	[sflag:s0] =	ssyncadd.tile.s32 @!p0 $0x1;
	_ =	shalt  }
.Lfunc_end2:
_tile_overlayer_lowered:
.L_overlay_start_2:
0x5d: {  	(tag) =	ssettag $0x2  }
0x5e: {  	s0 =	rddreg [dreg:$0x0];
	s2 =	stileid.u32  }
0x5f: {  	s1 =	rddreg [dreg:$0x1];
	p0 =	sne.s32 s2, $0x0  }
0x60: {  	s3 =	rddreg [dreg:$0x2];
	[bflag:$0x3] =	sbarrier.arrive $0xFFFF;
	s2 =	simm.s32 @!p0 $0x1C02  }
0x61: {  	[timem:s3], [sflag:s2] =	dma.local @!p0 [hbm:s0], s1  }
0x62: {  	s0 =	simm.s32 @!p0 $0x2  }
0x63: {  	_ =	swait.ge @!p0 [sflag:s0], s1  }
0x64: {  	s1 =	ssub.s32 @!p0 $0x0, s1;
	[sflag:s0] =	ssyncset.done @!p0 $0x0  }
0x65: {  	[sflag:s0] =	ssyncadd.s32 @!p0 s1  }
0x66: {  	[bflag:$0x3] =	sbarrier.arrive $0xFFFF  }
0x67: {  	_ =	shalt  }

</sc_bundles>
